<compile_context>
chip_gen: v7x
topology: tpu7x:2x2x1
jax: 0.10.2.dev20260603
libtpu: 0.0.44.dev20260713+nightly
codegen_flags: <defaults>
</compile_context>

<pallas_src>
import functools

import jax
import jax.numpy as jnp
import numpy as np
from jax import lax
from jax.experimental import pallas as pl
from jax.experimental.pallas import tpu as pltpu
from jax.experimental.pallas import tpu_sc as plsc

VOCAB = 1000000
D = 64
B = 4096
L = 200
BL = B * L

NC = 2
NS = 16
NW = NC * NS
ROWS_PER_W = BL // NW
CH = 128
N_CH = ROWS_PER_W // CH


def _positional_encoding_np(seq_len, d_model):
    pos = np.arange(seq_len, dtype=np.float32)[:, None]
    i = np.arange(0, d_model, 2, dtype=np.float32)[None, :]
    angles = pos / np.power(10000.0, i / d_model)
    pe = np.zeros((seq_len, d_model), dtype=np.float32)
    pe[:, 0::2] = np.sin(angles)
    pe[:, 1::2] = np.cos(angles)
    return pe


_MESH = plsc.VectorSubcoreMesh(
    core_axis_name="c", subcore_axis_name="s", num_cores=NC, num_subcores=NS
)


@functools.partial(
    pl.kernel,
    mesh=_MESH,
    out_type=jax.ShapeDtypeStruct((BL, D), jnp.float32),
    scratch_types=[
        pltpu.VMEM((2, CH), jnp.int32),
        pltpu.VMEM((2, CH, 2 * D), jnp.float32),
        pltpu.VMEM((2, CH, D), jnp.float32),
        pltpu.VMEM((2 * L, D), jnp.float32),
        pltpu.SemaphoreType.DMA,
        pltpu.SemaphoreType.DMA,
        pltpu.SemaphoreType.DMA,
        pltpu.SemaphoreType.DMA,
    ],
    compiler_params=pltpu.CompilerParams(use_tc_tiling_on_sc=True),
)
def _seq_embed(x_hbm, pe_hbm, tbl_hbm, out_hbm, idxr_v, rows_v,
               res_v, pe_v, sg0, sg1, so0, so1):
    sg = (sg0, sg1)
    so = (so0, so1)
    wid = lax.axis_index("s") * NC + lax.axis_index("c")
    base = wid * ROWS_PER_W
    pltpu.sync_copy(pe_hbm, pe_v)

    def stage_idx(c, b):
        start = pl.multiple_of(base + CH * c, CH)
        pltpu.sync_copy(x_hbm.at[pl.ds(start, CH)], idxr_v.at[b])

    def gather(b):
        pltpu.async_copy(tbl_hbm.at[idxr_v.at[b]], rows_v.at[b], sg[b])

    def wait_gather(b):
        pltpu.make_async_copy(
            tbl_hbm.at[pl.ds(0, CH)], rows_v.at[b], sg[b]
        ).wait()

    def wait_out(b):
        pltpu.make_async_copy(
            res_v.at[b], out_hbm.at[pl.ds(0, CH)], so[b]
        ).wait()

    stage_idx(0, 0)
    gather(0)

    def step(k, carry):
        for b in range(2):
            c = 2 * k + b
            if b == 0:
                stage_idx(c + 1, 1)
                gather(1)
            else:
                @pl.when(k <= (N_CH // 2) - 2)
                def _():
                    stage_idx(c + 1, 0)
                    gather(0)
            @pl.when(k >= 1)
            def _():
                wait_out(b)
            wait_gather(b)
            p = lax.rem(CH * c, L)

            @plsc.parallel_loop(0, CH, unroll=8)
            def _(j):
                for s in range(D // 16):
                    sl = pl.ds(s * 16, 16)
                    res_v[b, j, sl] = rows_v[b, j, sl] + pe_v[p + j, sl]

            ostart = pl.multiple_of(base + CH * c, CH)
            pltpu.async_copy(
                res_v.at[b], out_hbm.at[pl.ds(ostart, CH)], so[b]
            )
        return carry

    lax.fori_loop(0, N_CH // 2, step, 0)
    wait_out(0)
    wait_out(1)


def kernel(x, table):
    pe2 = np.concatenate([_positional_encoding_np(L, D)] * 2, axis=0)
    x_flat = x.reshape(-1).astype(jnp.int32)
    tbl128 = jnp.pad(table, ((0, 0), (0, D)))
    out = _seq_embed(x_flat, jnp.asarray(pe2), tbl128)
    return out.reshape(B, L, D)

# --- scband reference (transcript-rebuilt; emitter-appended) ---
"""Pipeline reference for scband-seq-embedding-33303176413489 (READ-ONLY COPY).

The authoritative reference and input builder live on the scoring server;
editing this copy changes nothing except your own understanding.
"""

import jax, jax.numpy as jnp
import numpy as np

VOCAB = 1000000
D_MODEL = 64
BATCH = 4096
SEQ_LEN = 200


def _positional_encoding(seq_len, d_model):
    pos = np.arange(seq_len, dtype=np.float32)[:, None]
    i = np.arange(0, d_model, 2, dtype=np.float32)[None, :]
    angles = pos / np.power(10000.0, i / d_model)
    pe = np.zeros((seq_len, d_model), dtype=np.float32)
    pe[:, 0::2] = np.sin(angles)
    pe[:, 1::2] = np.cos(angles)
    return jnp.asarray(pe)


def setup_inputs(seed: int = 0) -> dict:
    key = jax.random.key(seed)
    k1, k2 = jax.random.split(key)
    x = jax.random.randint(k1, (BATCH, SEQ_LEN), 0, VOCAB, dtype=jnp.int64 if jax.config.jax_enable_x64 else jnp.int32)
    table = jax.random.normal(k2, (VOCAB, D_MODEL), dtype=jnp.float32) * 0.02
    return {"x": x, "table": table}


def reference(x, table):
    # embedding lookup (SparseCore-mappable gather)
    emb = jnp.take(table, x, axis=0)  # [B, L, D]
    pe = _positional_encoding(emb.shape[1], emb.shape[2])
    out = emb + pe[None, :, :]
    return out

if __name__ == "__main__":
    import jax
    _d = setup_inputs()
    print(jax.jit(kernel)(*tuple(_d.values())))

</pallas_src>

<mosaic_0001>
#map = affine_map<(d0, d1) -> (0)>
#map1 = affine_map<(d0, d1) -> (0, 0)>
module attributes {stable_mosaic.version = 14 : i64} {
  func.func @_seq_embed(%arg0: i32, %arg1: i32, %arg2: memref<819200xi32, #tpu.memory_space<hbm>>, %arg3: memref<400x64xf32, #tpu.memory_space<hbm>>, %arg4: memref<1000000x128xf32, #tpu.memory_space<hbm>>, %arg5: memref<819200x64xf32, #tpu.memory_space<hbm>>, %arg6: memref<2x128xi32, #tpu.memory_space<vmem>>, %arg7: memref<2x128x128xf32, #tpu.memory_space<vmem>>, %arg8: memref<2x128x64xf32, #tpu.memory_space<vmem>>, %arg9: memref<400x64xf32, #tpu.memory_space<vmem>>, %arg10: memref<!tpu.dma_semaphore, #tpu.memory_space<semaphore_mem>>, %arg11: memref<!tpu.dma_semaphore, #tpu.memory_space<semaphore_mem>>, %arg12: memref<!tpu.dma_semaphore, #tpu.memory_space<semaphore_mem>>, %arg13: memref<!tpu.dma_semaphore, #tpu.memory_space<semaphore_mem>>) attributes {dimension_semantics = [#tpu.dimension_semantics<core_parallel>, #tpu.dimension_semantics<subcore_parallel>], iteration_bounds = array<i64: 2, 16>, scalar_prefetch = 0 : i64, scratch_operands = 8 : i64, tpu.core_type = #tpu.core_type<sc_vector_subcore>, window_params = [{transform_indices = #map}, {transform_indices = #map1}, {transform_indices = #map1}, {transform_indices = #map1}]} {
    %mul3A = arith.constant 2 : i32
    %mul3A_0 = arith.muli %arg1, %mul3A : i32
    %add3A = arith.addi %mul3A_0, %arg0 : i32
    %mul3A_1 = arith.constant 25600 : i32
    %mul3A_2 = arith.muli %add3A, %mul3A_1 : i32
    "tpu.region"() ({
      %run_scoped3A_50 = tpu.sem_alloc : memref<!tpu.dma_semaphore, #tpu.memory_space<semaphore_mem>>
      tpu.enqueue_dma source(%arg3 : memref<400x64xf32, #tpu.memory_space<hbm>>) target(%arg9 : memref<400x64xf32, #tpu.memory_space<vmem>>) target_semaphore(%run_scoped3A_50 : memref<!tpu.dma_semaphore, #tpu.memory_space<semaphore_mem>>)
      tpu.wait_dma2 semaphore(%run_scoped3A_50 : memref<!tpu.dma_semaphore, #tpu.memory_space<semaphore_mem>>) src(%arg3 : memref<400x64xf32, #tpu.memory_space<hbm>>) dst(%arg9 : memref<400x64xf32, #tpu.memory_space<vmem>>)
      tpu.yield
    }) : () -> ()
    %add3A_3 = arith.constant 0 : i32
    %add3A_4 = arith.addi %mul3A_2, %add3A_3 : i32
    %multiple_of3A = tpu.assume_multiple %add3A_4, 128 : i32
    %run_scoped3A = arith.constant 0 : i32
    "tpu.region"() ({
      %run_scoped3A_50 = tpu.sem_alloc : memref<!tpu.dma_semaphore, #tpu.memory_space<semaphore_mem>>
      %dma_start3A_51 = arith.constant 0 : i32
      %dma_start3A_52 = tpu.memref_slice %arg6[%run_scoped3A, %dma_start3A_51] : memref<2x128xi32, #tpu.memory_space<vmem>> -> memref<1x128xi32, #tpu.memory_space<vmem>>
      %dma_start3A_53 = tpu.memref_squeeze %dma_start3A_52 : memref<1x128xi32, #tpu.memory_space<vmem>> -> memref<128xi32, #tpu.memory_space<vmem>>
      %dma_start3A_54 = tpu.memref_slice %arg2[%multiple_of3A] : memref<819200xi32, #tpu.memory_space<hbm>> -> memref<128xi32, #tpu.memory_space<hbm>>
      %dma_start3A_55 = arith.constant 0 : i32
      %dma_start3A_56 = tpu.memref_slice %arg6[%run_scoped3A, %dma_start3A_55] : memref<2x128xi32, #tpu.memory_space<vmem>> -> memref<1x128xi32, #tpu.memory_space<vmem>>
      %dma_start3A_57 = tpu.memref_squeeze %dma_start3A_56 : memref<1x128xi32, #tpu.memory_space<vmem>> -> memref<128xi32, #tpu.memory_space<vmem>>
      %dma_start3A_58 = tpu.memref_slice %arg2[%multiple_of3A] : memref<819200xi32, #tpu.memory_space<hbm>> -> memref<128xi32, #tpu.memory_space<hbm>>
      tpu.enqueue_dma source(%dma_start3A_58 : memref<128xi32, #tpu.memory_space<hbm>>) target(%dma_start3A_57 : memref<128xi32, #tpu.memory_space<vmem>>) target_semaphore(%run_scoped3A_50 : memref<!tpu.dma_semaphore, #tpu.memory_space<semaphore_mem>>)
      %dma_wait3A_59 = arith.constant 0 : i32
      %dma_wait3A_60 = tpu.memref_slice %arg6[%run_scoped3A, %dma_wait3A_59] : memref<2x128xi32, #tpu.memory_space<vmem>> -> memref<1x128xi32, #tpu.memory_space<vmem>>
      %dma_wait3A_61 = tpu.memref_squeeze %dma_wait3A_60 : memref<1x128xi32, #tpu.memory_space<vmem>> -> memref<128xi32, #tpu.memory_space<vmem>>
      %dma_wait3A_62 = tpu.memref_slice %arg2[%multiple_of3A] : memref<819200xi32, #tpu.memory_space<hbm>> -> memref<128xi32, #tpu.memory_space<hbm>>
      %dma_wait3A_63 = arith.constant 0 : i32
      %dma_wait3A_64 = tpu.memref_slice %arg6[%run_scoped3A, %dma_wait3A_63] : memref<2x128xi32, #tpu.memory_space<vmem>> -> memref<1x128xi32, #tpu.memory_space<vmem>>
      %dma_wait3A_65 = tpu.memref_squeeze %dma_wait3A_64 : memref<1x128xi32, #tpu.memory_space<vmem>> -> memref<128xi32, #tpu.memory_space<vmem>>
      %dma_wait3A_66 = tpu.memref_slice %arg2[%multiple_of3A] : memref<819200xi32, #tpu.memory_space<hbm>> -> memref<128xi32, #tpu.memory_space<hbm>>
      tpu.wait_dma2 semaphore(%run_scoped3A_50 : memref<!tpu.dma_semaphore, #tpu.memory_space<semaphore_mem>>) src(%dma_wait3A_66 : memref<128xi32, #tpu.memory_space<hbm>>) dst(%dma_wait3A_65 : memref<128xi32, #tpu.memory_space<vmem>>)
      tpu.yield
    }) : () -> ()
    %dma_start3A = arith.constant 0 : i32
    %dma_start3A_5 = arith.constant 0 : i32
    %dma_start3A_6 = arith.constant 0 : i32
    %dma_start3A_7 = arith.constant 0 : i32
    %dma_start3A_8 = tpu.memref_slice %arg7[%dma_start3A_5, %dma_start3A_6, %dma_start3A_7] : memref<2x128x128xf32, #tpu.memory_space<vmem>> -> memref<1x128x128xf32, #tpu.memory_space<vmem>>
    %dma_start3A_9 = tpu.memref_squeeze %dma_start3A_8 : memref<1x128x128xf32, #tpu.memory_space<vmem>> -> memref<128x128xf32, #tpu.memory_space<vmem>>
    %dma_start3A_10 = arith.constant 0 : i32
    %dma_start3A_11 = tpu.memref_slice %arg6[%dma_start3A, %dma_start3A_10] : memref<2x128xi32, #tpu.memory_space<vmem>> -> memref<1x128xi32, #tpu.memory_space<vmem>>
    %dma_start3A_12 = tpu.memref_squeeze %dma_start3A_11 : memref<1x128xi32, #tpu.memory_space<vmem>> -> memref<128xi32, #tpu.memory_space<vmem>>
    %dma_start3A_13 = arith.constant 0 : i32
    %dma_start3A_14 = arith.constant 0 : i32
    %dma_start3A_15 = tpu.memref_slice %arg4[%dma_start3A_13, %dma_start3A_14] : memref<1000000x128xf32, #tpu.memory_space<hbm>> -> memref<1000000x128xf32, #tpu.memory_space<hbm>>
    tpu.enqueue_indirect_dma source(%dma_start3A_15 : memref<1000000x128xf32, #tpu.memory_space<hbm>>) target(%dma_start3A_9 : memref<128x128xf32, #tpu.memory_space<vmem>>) offsets(%dma_start3A_12 : memref<128xi32, #tpu.memory_space<vmem>>) semaphore(%arg10 : memref<!tpu.dma_semaphore, #tpu.memory_space<semaphore_mem>>)
    %scan3A = arith.constant 0 : i32
    %scan3A_16 = arith.constant 0 : i32
    %scan3A_17 = arith.constant 100 : i32
    %scan3A_18 = arith.addi %scan3A_16, %scan3A_17 : i32
    %scan3A_19 = arith.constant 1 : i32
    scf.for %scan3A_50 = %scan3A_16 to %scan3A_18 step %scan3A_19  : i32 {
      %mul3A_51 = arith.constant 2 : i32
      %mul3A_52 = arith.muli %mul3A_51, %scan3A_50 : i32
      %add3A_53 = arith.constant 0 : i32
      %add3A_54 = arith.addi %mul3A_52, %add3A_53 : i32
      %add3A_55 = arith.constant 1 : i32
      %add3A_56 = arith.addi %add3A_54, %add3A_55 : i32
      %mul3A_57 = arith.constant 128 : i32
      %mul3A_58 = arith.muli %mul3A_57, %add3A_56 : i32
      %add3A_59 = arith.addi %mul3A_2, %mul3A_58 : i32
      %multiple_of3A_60 = tpu.assume_multiple %add3A_59, 128 : i32
      %run_scoped3A_61 = arith.constant 1 : i32
      "tpu.region"() ({
        %run_scoped3A_165 = tpu.sem_alloc : memref<!tpu.dma_semaphore, #tpu.memory_space<semaphore_mem>>
        %dma_start3A_166 = arith.constant 0 : i32
        %dma_start3A_167 = tpu.memref_slice %arg6[%run_scoped3A_61, %dma_start3A_166] : memref<2x128xi32, #tpu.memory_space<vmem>> -> memref<1x128xi32, #tpu.memory_space<vmem>>
        %dma_start3A_168 = tpu.memref_squeeze %dma_start3A_167 : memref<1x128xi32, #tpu.memory_space<vmem>> -> memref<128xi32, #tpu.memory_space<vmem>>
        %dma_start3A_169 = tpu.memref_slice %arg2[%multiple_of3A_60] : memref<819200xi32, #tpu.memory_space<hbm>> -> memref<128xi32, #tpu.memory_space<hbm>>
        %dma_start3A_170 = arith.constant 0 : i32
        %dma_start3A_171 = tpu.memref_slice %arg6[%run_scoped3A_61, %dma_start3A_170] : memref<2x128xi32, #tpu.memory_space<vmem>> -> memref<1x128xi32, #tpu.memory_space<vmem>>
        %dma_start3A_172 = tpu.memref_squeeze %dma_start3A_171 : memref<1x128xi32, #tpu.memory_space<vmem>> -> memref<128xi32, #tpu.memory_space<vmem>>
        %dma_start3A_173 = tpu.memref_slice %arg2[%multiple_of3A_60] : memref<819200xi32, #tpu.memory_space<hbm>> -> memref<128xi32, #tpu.memory_space<hbm>>
        tpu.enqueue_dma source(%dma_start3A_173 : memref<128xi32, #tpu.memory_space<hbm>>) target(%dma_start3A_172 : memref<128xi32, #tpu.memory_space<vmem>>) target_semaphore(%run_scoped3A_165 : memref<!tpu.dma_semaphore, #tpu.memory_space<semaphore_mem>>)
        %dma_wait3A_174 = arith.constant 0 : i32
        %dma_wait3A_175 = tpu.memref_slice %arg6[%run_scoped3A_61, %dma_wait3A_174] : memref<2x128xi32, #tpu.memory_space<vmem>> -> memref<1x128xi32, #tpu.memory_space<vmem>>
        %dma_wait3A_176 = tpu.memref_squeeze %dma_wait3A_175 : memref<1x128xi32, #tpu.memory_space<vmem>> -> memref<128xi32, #tpu.memory_space<vmem>>
        %dma_wait3A_177 = tpu.memref_slice %arg2[%multiple_of3A_60] : memref<819200xi32, #tpu.memory_space<hbm>> -> memref<128xi32, #tpu.memory_space<hbm>>
        %dma_wait3A_178 = arith.constant 0 : i32
        %dma_wait3A_179 = tpu.memref_slice %arg6[%run_scoped3A_61, %dma_wait3A_178] : memref<2x128xi32, #tpu.memory_space<vmem>> -> memref<1x128xi32, #tpu.memory_space<vmem>>
        %dma_wait3A_180 = tpu.memref_squeeze %dma_wait3A_179 : memref<1x128xi32, #tpu.memory_space<vmem>> -> memref<128xi32, #tpu.memory_space<vmem>>
        %dma_wait3A_181 = tpu.memref_slice %arg2[%multiple_of3A_60] : memref<819200xi32, #tpu.memory_space<hbm>> -> memref<128xi32, #tpu.memory_space<hbm>>
        tpu.wait_dma2 semaphore(%run_scoped3A_165 : memref<!tpu.dma_semaphore, #tpu.memory_space<semaphore_mem>>) src(%dma_wait3A_181 : memref<128xi32, #tpu.memory_space<hbm>>) dst(%dma_wait3A_180 : memref<128xi32, #tpu.memory_space<vmem>>)
        tpu.yield
      }) : () -> ()
      %dma_start3A_62 = arith.constant 1 : i32
      %dma_start3A_63 = arith.constant 1 : i32
      %dma_start3A_64 = arith.constant 0 : i32
      %dma_start3A_65 = arith.constant 0 : i32
      %dma_start3A_66 = tpu.memref_slice %arg7[%dma_start3A_63, %dma_start3A_64, %dma_start3A_65] : memref<2x128x128xf32, #tpu.memory_space<vmem>> -> memref<1x128x128xf32, #tpu.memory_space<vmem>>
      %dma_start3A_67 = tpu.memref_squeeze %dma_start3A_66 : memref<1x128x128xf32, #tpu.memory_space<vmem>> -> memref<128x128xf32, #tpu.memory_space<vmem>>
      %dma_start3A_68 = arith.constant 0 : i32
      %dma_start3A_69 = tpu.memref_slice %arg6[%dma_start3A_62, %dma_start3A_68] : memref<2x128xi32, #tpu.memory_space<vmem>> -> memref<1x128xi32, #tpu.memory_space<vmem>>
      %dma_start3A_70 = tpu.memref_squeeze %dma_start3A_69 : memref<1x128xi32, #tpu.memory_space<vmem>> -> memref<128xi32, #tpu.memory_space<vmem>>
      %dma_start3A_71 = arith.constant 0 : i32
      %dma_start3A_72 = arith.constant 0 : i32
      %dma_start3A_73 = tpu.memref_slice %arg4[%dma_start3A_71, %dma_start3A_72] : memref<1000000x128xf32, #tpu.memory_space<hbm>> -> memref<1000000x128xf32, #tpu.memory_space<hbm>>
      tpu.enqueue_indirect_dma source(%dma_start3A_73 : memref<1000000x128xf32, #tpu.memory_space<hbm>>) target(%dma_start3A_67 : memref<128x128xf32, #tpu.memory_space<vmem>>) offsets(%dma_start3A_70 : memref<128xi32, #tpu.memory_space<vmem>>) semaphore(%arg11 : memref<!tpu.dma_semaphore, #tpu.memory_space<semaphore_mem>>)
      %ge3A = arith.constant 1 : i32
      %ge3A_74 = arith.cmpi sge, %scan3A_50, %ge3A : i32
      %convert_element_type3A = arith.extui %ge3A_74 : i1 to i32
      %cond3A = arith.constant 0 : i32
      %cond3A_75 = arith.cmpi ne, %convert_element_type3A, %cond3A : i32
      scf.if %cond3A_75 {
        %dma_wait3A_165 = arith.constant 0 : i32
        %dma_wait3A_166 = arith.constant 0 : i32
        %dma_wait3A_167 = arith.constant 0 : i32
        %dma_wait3A_168 = tpu.memref_slice %arg8[%dma_wait3A_165, %dma_wait3A_166, %dma_wait3A_167] : memref<2x128x64xf32, #tpu.memory_space<vmem>> -> memref<1x128x64xf32, #tpu.memory_space<vmem>>
        %dma_wait3A_169 = tpu.memref_squeeze %dma_wait3A_168 : memref<1x128x64xf32, #tpu.memory_space<vmem>> -> memref<128x64xf32, #tpu.memory_space<vmem>>
        %dma_wait3A_170 = arith.constant 0 : i32
        %dma_wait3A_171 = arith.constant 0 : i32
        %dma_wait3A_172 = tpu.memref_slice %arg5[%dma_wait3A_170, %dma_wait3A_171] : memref<819200x64xf32, #tpu.memory_space<hbm>> -> memref<128x64xf32, #tpu.memory_space<hbm>>
        %dma_wait3A_173 = arith.constant 0 : i32
        %dma_wait3A_174 = arith.constant 0 : i32
        %dma_wait3A_175 = tpu.memref_slice %arg5[%dma_wait3A_173, %dma_wait3A_174] : memref<819200x64xf32, #tpu.memory_space<hbm>> -> memref<128x64xf32, #tpu.memory_space<hbm>>
        %dma_wait3A_176 = arith.constant 0 : i32
        %dma_wait3A_177 = arith.constant 0 : i32
        %dma_wait3A_178 = tpu.memref_slice %arg8[%dma_wait3A_165, %dma_wait3A_176, %dma_wait3A_177] : memref<2x128x64xf32, #tpu.memory_space<vmem>> -> memref<1x128x64xf32, #tpu.memory_space<vmem>>
        %dma_wait3A_179 = tpu.memref_squeeze %dma_wait3A_178 : memref<1x128x64xf32, #tpu.memory_space<vmem>> -> memref<128x64xf32, #tpu.memory_space<vmem>>
        tpu.wait_dma2 semaphore(%arg12 : memref<!tpu.dma_semaphore, #tpu.memory_space<semaphore_mem>>) src(%dma_wait3A_179 : memref<128x64xf32, #tpu.memory_space<vmem>>) dst(%dma_wait3A_175 : memref<128x64xf32, #tpu.memory_space<hbm>>)
      } else {
      }
      %dma_wait3A_76 = arith.constant 0 : i32
      %dma_wait3A_77 = arith.constant 0 : i32
      %dma_wait3A_78 = arith.constant 0 : i32
      %dma_wait3A_79 = tpu.memref_slice %arg7[%dma_wait3A_76, %dma_wait3A_77, %dma_wait3A_78] : memref<2x128x128xf32, #tpu.memory_space<vmem>> -> memref<1x128x128xf32, #tpu.memory_space<vmem>>
      %dma_wait3A_80 = tpu.memref_squeeze %dma_wait3A_79 : memref<1x128x128xf32, #tpu.memory_space<vmem>> -> memref<128x128xf32, #tpu.memory_space<vmem>>
      %dma_wait3A_81 = arith.constant 0 : i32
      %dma_wait3A_82 = arith.constant 0 : i32
      %dma_wait3A_83 = tpu.memref_slice %arg4[%dma_wait3A_81, %dma_wait3A_82] : memref<1000000x128xf32, #tpu.memory_space<hbm>> -> memref<128x128xf32, #tpu.memory_space<hbm>>
      %dma_wait3A_84 = arith.constant 0 : i32
      %dma_wait3A_85 = arith.constant 0 : i32
      %dma_wait3A_86 = tpu.memref_slice %arg7[%dma_wait3A_76, %dma_wait3A_84, %dma_wait3A_85] : memref<2x128x128xf32, #tpu.memory_space<vmem>> -> memref<1x128x128xf32, #tpu.memory_space<vmem>>
      %dma_wait3A_87 = tpu.memref_squeeze %dma_wait3A_86 : memref<1x128x128xf32, #tpu.memory_space<vmem>> -> memref<128x128xf32, #tpu.memory_space<vmem>>
      %dma_wait3A_88 = arith.constant 0 : i32
      %dma_wait3A_89 = arith.constant 0 : i32
      %dma_wait3A_90 = tpu.memref_slice %arg4[%dma_wait3A_88, %dma_wait3A_89] : memref<1000000x128xf32, #tpu.memory_space<hbm>> -> memref<128x128xf32, #tpu.memory_space<hbm>>
      tpu.wait_dma2 semaphore(%arg10 : memref<!tpu.dma_semaphore, #tpu.memory_space<semaphore_mem>>) src(%dma_wait3A_90 : memref<128x128xf32, #tpu.memory_space<hbm>>) dst(%dma_wait3A_87 : memref<128x128xf32, #tpu.memory_space<vmem>>)
      %mul3A_91 = arith.constant 128 : i32
      %mul3A_92 = arith.muli %mul3A_91, %add3A_54 : i32
      %rem3A = arith.constant 200 : i32
      %rem3A_93 = arith.remsi %mul3A_92, %rem3A : i32
      %parallel_loop3A = arith.constant 0 : i32
      %parallel_loop3A_94 = arith.constant 128 : i32
      %parallel_loop3A_95 = arith.constant 1 : i32
      scf.for %parallel_loop3A_165 = %parallel_loop3A to %parallel_loop3A_94 step %parallel_loop3A_95  : i32 {
        %parallel_loop3A_166 = arith.constant 0 : i32
        %parallel_loop3A_167 = arith.index_cast %parallel_loop3A_166 : i32 to index
        %parallel_loop3A_168 = arith.index_cast %parallel_loop3A_165 : i32 to index
        %parallel_loop3A_169 = arith.constant 0 : index
        %parallel_loop3A_170 = tpu.vector_load %arg7[%parallel_loop3A_167, %parallel_loop3A_168, %parallel_loop3A_169] {strides = array<i32>} : memref<2x128x128xf32, #tpu.memory_space<vmem>>, vector<1x1x16xf32>,
        %parallel_loop3A_171 = vector.shape_cast %parallel_loop3A_170 : vector<1x1x16xf32> to vector<16xf32>
        %parallel_loop3A_172 = arith.addi %rem3A_93, %parallel_loop3A_165 : i32
        %parallel_loop3A_173 = arith.index_cast %parallel_loop3A_172 : i32 to index
        %parallel_loop3A_174 = arith.constant 0 : index
        %parallel_loop3A_175 = tpu.vector_load %arg9[%parallel_loop3A_173, %parallel_loop3A_174] {strides = array<i32>} : memref<400x64xf32, #tpu.memory_space<vmem>>, vector<1x16xf32>,
        %parallel_loop3A_176 = vector.shape_cast %parallel_loop3A_175 : vector<1x16xf32> to vector<16xf32>
        %parallel_loop3A_177 = arith.addf %parallel_loop3A_171, %parallel_loop3A_176 : vector<16xf32>
        %parallel_loop3A_178 = arith.constant 0 : i32
        %parallel_loop3A_179 = arith.index_cast %parallel_loop3A_178 : i32 to index
        %parallel_loop3A_180 = arith.index_cast %parallel_loop3A_165 : i32 to index
        %parallel_loop3A_181 = arith.constant 0 : index
        %parallel_loop3A_182 = tpu.vector_load %arg8[%parallel_loop3A_179, %parallel_loop3A_180, %parallel_loop3A_181] {strides = array<i32>} : memref<2x128x64xf32, #tpu.memory_space<vmem>>, vector<1x1x16xf32>,
        %parallel_loop3A_183 = vector.shape_cast %parallel_loop3A_182 : vector<1x1x16xf32> to vector<16xf32>
        %parallel_loop3A_184 = vector.shape_cast %parallel_loop3A_177 : vector<16xf32> to vector<1x1x16xf32>
        tpu.vector_store %arg8[%parallel_loop3A_179, %parallel_loop3A_180, %parallel_loop3A_181], %parallel_loop3A_184 {strides = array<i32>} : memref<2x128x64xf32, #tpu.memory_space<vmem>>, vector<1x1x16xf32>,
        %parallel_loop3A_185 = arith.constant 0 : i32
        %parallel_loop3A_186 = arith.index_cast %parallel_loop3A_185 : i32 to index
        %parallel_loop3A_187 = arith.index_cast %parallel_loop3A_165 : i32 to index
        %parallel_loop3A_188 = arith.constant 16 : index
        %parallel_loop3A_189 = tpu.vector_load %arg7[%parallel_loop3A_186, %parallel_loop3A_187, %parallel_loop3A_188] {strides = array<i32>} : memref<2x128x128xf32, #tpu.memory_space<vmem>>, vector<1x1x16xf32>,
        %parallel_loop3A_190 = vector.shape_cast %parallel_loop3A_189 : vector<1x1x16xf32> to vector<16xf32>
        %parallel_loop3A_191 = arith.addi %rem3A_93, %parallel_loop3A_165 : i32
        %parallel_loop3A_192 = arith.index_cast %parallel_loop3A_191 : i32 to index
        %parallel_loop3A_193 = arith.constant 16 : index
        %parallel_loop3A_194 = tpu.vector_load %arg9[%parallel_loop3A_192, %parallel_loop3A_193] {strides = array<i32>} : memref<400x64xf32, #tpu.memory_space<vmem>>, vector<1x16xf32>,
        %parallel_loop3A_195 = vector.shape_cast %parallel_loop3A_194 : vector<1x16xf32> to vector<16xf32>
        %parallel_loop3A_196 = arith.addf %parallel_loop3A_190, %parallel_loop3A_195 : vector<16xf32>
        %parallel_loop3A_197 = arith.constant 0 : i32
        %parallel_loop3A_198 = arith.index_cast %parallel_loop3A_197 : i32 to index
        %parallel_loop3A_199 = arith.index_cast %parallel_loop3A_165 : i32 to index
        %parallel_loop3A_200 = arith.constant 16 : index
        %parallel_loop3A_201 = tpu.vector_load %arg8[%parallel_loop3A_198, %parallel_loop3A_199, %parallel_loop3A_200] {strides = array<i32>} : memref<2x128x64xf32, #tpu.memory_space<vmem>>, vector<1x1x16xf32>,
        %parallel_loop3A_202 = vector.shape_cast %parallel_loop3A_201 : vector<1x1x16xf32> to vector<16xf32>
        %parallel_loop3A_203 = vector.shape_cast %parallel_loop3A_196 : vector<16xf32> to vector<1x1x16xf32>
        tpu.vector_store %arg8[%parallel_loop3A_198, %parallel_loop3A_199, %parallel_loop3A_200], %parallel_loop3A_203 {strides = array<i32>} : memref<2x128x64xf32, #tpu.memory_space<vmem>>, vector<1x1x16xf32>,
        %parallel_loop3A_204 = arith.constant 0 : i32
        %parallel_loop3A_205 = arith.index_cast %parallel_loop3A_204 : i32 to index
        %parallel_loop3A_206 = arith.index_cast %parallel_loop3A_165 : i32 to index
        %parallel_loop3A_207 = arith.constant 32 : index
        %parallel_loop3A_208 = tpu.vector_load %arg7[%parallel_loop3A_205, %parallel_loop3A_206, %parallel_loop3A_207] {strides = array<i32>} : memref<2x128x128xf32, #tpu.memory_space<vmem>>, vector<1x1x16xf32>,
        %parallel_loop3A_209 = vector.shape_cast %parallel_loop3A_208 : vector<1x1x16xf32> to vector<16xf32>
        %parallel_loop3A_210 = arith.addi %rem3A_93, %parallel_loop3A_165 : i32
        %parallel_loop3A_211 = arith.index_cast %parallel_loop3A_210 : i32 to index
        %parallel_loop3A_212 = arith.constant 32 : index
        %parallel_loop3A_213 = tpu.vector_load %arg9[%parallel_loop3A_211, %parallel_loop3A_212] {strides = array<i32>} : memref<400x64xf32, #tpu.memory_space<vmem>>, vector<1x16xf32>,
        %parallel_loop3A_214 = vector.shape_cast %parallel_loop3A_213 : vector<1x16xf32> to vector<16xf32>
        %parallel_loop3A_215 = arith.addf %parallel_loop3A_209, %parallel_loop3A_214 : vector<16xf32>
        %parallel_loop3A_216 = arith.constant 0 : i32
        %parallel_loop3A_217 = arith.index_cast %parallel_loop3A_216 : i32 to index
        %parallel_loop3A_218 = arith.index_cast %parallel_loop3A_165 : i32 to index
        %parallel_loop3A_219 = arith.constant 32 : index
        %parallel_loop3A_220 = tpu.vector_load %arg8[%parallel_loop3A_217, %parallel_loop3A_218, %parallel_loop3A_219] {strides = array<i32>} : memref<2x128x64xf32, #tpu.memory_space<vmem>>, vector<1x1x16xf32>,
        %parallel_loop3A_221 = vector.shape_cast %parallel_loop3A_220 : vector<1x1x16xf32> to vector<16xf32>
        %parallel_loop3A_222 = vector.shape_cast %parallel_loop3A_215 : vector<16xf32> to vector<1x1x16xf32>
        tpu.vector_store %arg8[%parallel_loop3A_217, %parallel_loop3A_218, %parallel_loop3A_219], %parallel_loop3A_222 {strides = array<i32>} : memref<2x128x64xf32, #tpu.memory_space<vmem>>, vector<1x1x16xf32>,
        %parallel_loop3A_223 = arith.constant 0 : i32
        %parallel_loop3A_224 = arith.index_cast %parallel_loop3A_223 : i32 to index
        %parallel_loop3A_225 = arith.index_cast %parallel_loop3A_165 : i32 to index
        %parallel_loop3A_226 = arith.constant 48 : index
        %parallel_loop3A_227 = tpu.vector_load %arg7[%parallel_loop3A_224, %parallel_loop3A_225, %parallel_loop3A_226] {strides = array<i32>} : memref<2x128x128xf32, #tpu.memory_space<vmem>>, vector<1x1x16xf32>,
        %parallel_loop3A_228 = vector.shape_cast %parallel_loop3A_227 : vector<1x1x16xf32> to vector<16xf32>
        %parallel_loop3A_229 = arith.addi %rem3A_93, %parallel_loop3A_165 : i32
        %parallel_loop3A_230 = arith.index_cast %parallel_loop3A_229 : i32 to index
        %parallel_loop3A_231 = arith.constant 48 : index
        %parallel_loop3A_232 = tpu.vector_load %arg9[%parallel_loop3A_230, %parallel_loop3A_231] {strides = array<i32>} : memref<400x64xf32, #tpu.memory_space<vmem>>, vector<1x16xf32>,
        %parallel_loop3A_233 = vector.shape_cast %parallel_loop3A_232 : vector<1x16xf32> to vector<16xf32>
        %parallel_loop3A_234 = arith.addf %parallel_loop3A_228, %parallel_loop3A_233 : vector<16xf32>
        %parallel_loop3A_235 = arith.constant 0 : i32
        %parallel_loop3A_236 = arith.index_cast %parallel_loop3A_235 : i32 to index
        %parallel_loop3A_237 = arith.index_cast %parallel_loop3A_165 : i32 to index
        %parallel_loop3A_238 = arith.constant 48 : index
        %parallel_loop3A_239 = tpu.vector_load %arg8[%parallel_loop3A_236, %parallel_loop3A_237, %parallel_loop3A_238] {strides = array<i32>} : memref<2x128x64xf32, #tpu.memory_space<vmem>>, vector<1x1x16xf32>,
        %parallel_loop3A_240 = vector.shape_cast %parallel_loop3A_239 : vector<1x1x16xf32> to vector<16xf32>
        %parallel_loop3A_241 = vector.shape_cast %parallel_loop3A_234 : vector<16xf32> to vector<1x1x16xf32>
        tpu.vector_store %arg8[%parallel_loop3A_236, %parallel_loop3A_237, %parallel_loop3A_238], %parallel_loop3A_241 {strides = array<i32>} : memref<2x128x64xf32, #tpu.memory_space<vmem>>, vector<1x1x16xf32>,
      } {sc.loop_unroll_factor = 8 : i64, sc.parallel_access}
      %mul3A_96 = arith.constant 128 : i32
      %mul3A_97 = arith.muli %mul3A_96, %add3A_54 : i32
      %add3A_98 = arith.addi %mul3A_2, %mul3A_97 : i32
      %multiple_of3A_99 = tpu.assume_multiple %add3A_98, 128 : i32
      %dma_start3A_100 = arith.constant 0 : i32
      %dma_start3A_101 = arith.constant 0 : i32
      %dma_start3A_102 = arith.constant 0 : i32
      %dma_start3A_103 = tpu.memref_slice %arg8[%dma_start3A_100, %dma_start3A_101, %dma_start3A_102] : memref<2x128x64xf32, #tpu.memory_space<vmem>> -> memref<1x128x64xf32, #tpu.memory_space<vmem>>
      %dma_start3A_104 = tpu.memref_squeeze %dma_start3A_103 : memref<1x128x64xf32, #tpu.memory_space<vmem>> -> memref<128x64xf32, #tpu.memory_space<vmem>>
      %dma_start3A_105 = arith.constant 0 : i32
      %dma_start3A_106 = tpu.memref_slice %arg5[%multiple_of3A_99, %dma_start3A_105] : memref<819200x64xf32, #tpu.memory_space<hbm>> -> memref<128x64xf32, #tpu.memory_space<hbm>>
      %dma_start3A_107 = arith.constant 0 : i32
      %dma_start3A_108 = tpu.memref_slice %arg5[%multiple_of3A_99, %dma_start3A_107] : memref<819200x64xf32, #tpu.memory_space<hbm>> -> memref<128x64xf32, #tpu.memory_space<hbm>>
      %dma_start3A_109 = arith.constant 0 : i32
      %dma_start3A_110 = arith.constant 0 : i32
      %dma_start3A_111 = tpu.memref_slice %arg8[%dma_start3A_100, %dma_start3A_109, %dma_start3A_110] : memref<2x128x64xf32, #tpu.memory_space<vmem>> -> memref<1x128x64xf32, #tpu.memory_space<vmem>>
      %dma_start3A_112 = tpu.memref_squeeze %dma_start3A_111 : memref<1x128x64xf32, #tpu.memory_space<vmem>> -> memref<128x64xf32, #tpu.memory_space<vmem>>
      tpu.enqueue_dma source(%dma_start3A_112 : memref<128x64xf32, #tpu.memory_space<vmem>>) target(%dma_start3A_108 : memref<128x64xf32, #tpu.memory_space<hbm>>) target_semaphore(%arg12 : memref<!tpu.dma_semaphore, #tpu.memory_space<semaphore_mem>>)
      %mul3A_113 = arith.constant 2 : i32
      %mul3A_114 = arith.muli %mul3A_113, %scan3A_50 : i32
      %add3A_115 = arith.constant 1 : i32
      %add3A_116 = arith.addi %mul3A_114, %add3A_115 : i32
      %le3A = arith.constant 98 : i32
      %le3A_117 = arith.cmpi sle, %scan3A_50, %le3A : i32
      %convert_element_type3A_118 = arith.extui %le3A_117 : i1 to i32
      %cond3A_119 = arith.constant 0 : i32
      %cond3A_120 = arith.cmpi ne, %convert_element_type3A_118, %cond3A_119 : i32
      scf.if %cond3A_120 {
        %add3A_165 = arith.constant 1 : i32
        %add3A_166 = arith.addi %add3A_116, %add3A_165 : i32
        %mul3A_167 = arith.constant 128 : i32
        %mul3A_168 = arith.muli %mul3A_167, %add3A_166 : i32
        %add3A_169 = arith.addi %mul3A_2, %mul3A_168 : i32
        %multiple_of3A_170 = tpu.assume_multiple %add3A_169, 128 : i32
        %run_scoped3A_171 = arith.constant 0 : i32
        "tpu.region"() ({
          %run_scoped3A_184 = tpu.sem_alloc : memref<!tpu.dma_semaphore, #tpu.memory_space<semaphore_mem>>
          %dma_start3A_185 = arith.constant 0 : i32
          %dma_start3A_186 = tpu.memref_slice %arg6[%run_scoped3A_171, %dma_start3A_185] : memref<2x128xi32, #tpu.memory_space<vmem>> -> memref<1x128xi32, #tpu.memory_space<vmem>>
          %dma_start3A_187 = tpu.memref_squeeze %dma_start3A_186 : memref<1x128xi32, #tpu.memory_space<vmem>> -> memref<128xi32, #tpu.memory_space<vmem>>
          %dma_start3A_188 = tpu.memref_slice %arg2[%multiple_of3A_170] : memref<819200xi32, #tpu.memory_space<hbm>> -> memref<128xi32, #tpu.memory_space<hbm>>
          %dma_start3A_189 = arith.constant 0 : i32
          %dma_start3A_190 = tpu.memref_slice %arg6[%run_scoped3A_171, %dma_start3A_189] : memref<2x128xi32, #tpu.memory_space<vmem>> -> memref<1x128xi32, #tpu.memory_space<vmem>>
          %dma_start3A_191 = tpu.memref_squeeze %dma_start3A_190 : memref<1x128xi32, #tpu.memory_space<vmem>> -> memref<128xi32, #tpu.memory_space<vmem>>
          %dma_start3A_192 = tpu.memref_slice %arg2[%multiple_of3A_170] : memref<819200xi32, #tpu.memory_space<hbm>> -> memref<128xi32, #tpu.memory_space<hbm>>
          tpu.enqueue_dma source(%dma_start3A_192 : memref<128xi32, #tpu.memory_space<hbm>>) target(%dma_start3A_191 : memref<128xi32, #tpu.memory_space<vmem>>) target_semaphore(%run_scoped3A_184 : memref<!tpu.dma_semaphore, #tpu.memory_space<semaphore_mem>>)
          %dma_wait3A_193 = arith.constant 0 : i32
          %dma_wait3A_194 = tpu.memref_slice %arg6[%run_scoped3A_171, %dma_wait3A_193] : memref<2x128xi32, #tpu.memory_space<vmem>> -> memref<1x128xi32, #tpu.memory_space<vmem>>
          %dma_wait3A_195 = tpu.memref_squeeze %dma_wait3A_194 : memref<1x128xi32, #tpu.memory_space<vmem>> -> memref<128xi32, #tpu.memory_space<vmem>>
          %dma_wait3A_196 = tpu.memref_slice %arg2[%multiple_of3A_170] : memref<819200xi32, #tpu.memory_space<hbm>> -> memref<128xi32, #tpu.memory_space<hbm>>
          %dma_wait3A_197 = arith.constant 0 : i32
          %dma_wait3A_198 = tpu.memref_slice %arg6[%run_scoped3A_171, %dma_wait3A_197] : memref<2x128xi32, #tpu.memory_space<vmem>> -> memref<1x128xi32, #tpu.memory_space<vmem>>
          %dma_wait3A_199 = tpu.memref_squeeze %dma_wait3A_198 : memref<1x128xi32, #tpu.memory_space<vmem>> -> memref<128xi32, #tpu.memory_space<vmem>>
          %dma_wait3A_200 = tpu.memref_slice %arg2[%multiple_of3A_170] : memref<819200xi32, #tpu.memory_space<hbm>> -> memref<128xi32, #tpu.memory_space<hbm>>
          tpu.wait_dma2 semaphore(%run_scoped3A_184 : memref<!tpu.dma_semaphore, #tpu.memory_space<semaphore_mem>>) src(%dma_wait3A_200 : memref<128xi32, #tpu.memory_space<hbm>>) dst(%dma_wait3A_199 : memref<128xi32, #tpu.memory_space<vmem>>)
          tpu.yield
        }) : () -> ()
        %dma_start3A_172 = arith.constant 0 : i32
        %dma_start3A_173 = arith.constant 0 : i32
        %dma_start3A_174 = arith.constant 0 : i32
        %dma_start3A_175 = arith.constant 0 : i32
        %dma_start3A_176 = tpu.memref_slice %arg7[%dma_start3A_173, %dma_start3A_174, %dma_start3A_175] : memref<2x128x128xf32, #tpu.memory_space<vmem>> -> memref<1x128x128xf32, #tpu.memory_space<vmem>>
        %dma_start3A_177 = tpu.memref_squeeze %dma_start3A_176 : memref<1x128x128xf32, #tpu.memory_space<vmem>> -> memref<128x128xf32, #tpu.memory_space<vmem>>
        %dma_start3A_178 = arith.constant 0 : i32
        %dma_start3A_179 = tpu.memref_slice %arg6[%dma_start3A_172, %dma_start3A_178] : memref<2x128xi32, #tpu.memory_space<vmem>> -> memref<1x128xi32, #tpu.memory_space<vmem>>
        %dma_start3A_180 = tpu.memref_squeeze %dma_start3A_179 : memref<1x128xi32, #tpu.memory_space<vmem>> -> memref<128xi32, #tpu.memory_space<vmem>>
        %dma_start3A_181 = arith.constant 0 : i32
        %dma_start3A_182 = arith.constant 0 : i32
        %dma_start3A_183 = tpu.memref_slice %arg4[%dma_start3A_181, %dma_start3A_182] : memref<1000000x128xf32, #tpu.memory_space<hbm>> -> memref<1000000x128xf32, #tpu.memory_space<hbm>>
        tpu.enqueue_indirect_dma source(%dma_start3A_183 : memref<1000000x128xf32, #tpu.memory_space<hbm>>) target(%dma_start3A_177 : memref<128x128xf32, #tpu.memory_space<vmem>>) offsets(%dma_start3A_180 : memref<128xi32, #tpu.memory_space<vmem>>) semaphore(%arg10 : memref<!tpu.dma_semaphore, #tpu.memory_space<semaphore_mem>>)
      } else {
      }
      %ge3A_121 = arith.constant 1 : i32
      %ge3A_122 = arith.cmpi sge, %scan3A_50, %ge3A_121 : i32
      %convert_element_type3A_123 = arith.extui %ge3A_122 : i1 to i32
      %cond3A_124 = arith.constant 0 : i32
      %cond3A_125 = arith.cmpi ne, %convert_element_type3A_123, %cond3A_124 : i32
      scf.if %cond3A_125 {
        %dma_wait3A_165 = arith.constant 1 : i32
        %dma_wait3A_166 = arith.constant 0 : i32
        %dma_wait3A_167 = arith.constant 0 : i32
        %dma_wait3A_168 = tpu.memref_slice %arg8[%dma_wait3A_165, %dma_wait3A_166, %dma_wait3A_167] : memref<2x128x64xf32, #tpu.memory_space<vmem>> -> memref<1x128x64xf32, #tpu.memory_space<vmem>>
        %dma_wait3A_169 = tpu.memref_squeeze %dma_wait3A_168 : memref<1x128x64xf32, #tpu.memory_space<vmem>> -> memref<128x64xf32, #tpu.memory_space<vmem>>
        %dma_wait3A_170 = arith.constant 0 : i32
        %dma_wait3A_171 = arith.constant 0 : i32
        %dma_wait3A_172 = tpu.memref_slice %arg5[%dma_wait3A_170, %dma_wait3A_171] : memref<819200x64xf32, #tpu.memory_space<hbm>> -> memref<128x64xf32, #tpu.memory_space<hbm>>
        %dma_wait3A_173 = arith.constant 0 : i32
        %dma_wait3A_174 = arith.constant 0 : i32
        %dma_wait3A_175 = tpu.memref_slice %arg5[%dma_wait3A_173, %dma_wait3A_174] : memref<819200x64xf32, #tpu.memory_space<hbm>> -> memref<128x64xf32, #tpu.memory_space<hbm>>
        %dma_wait3A_176 = arith.constant 0 : i32
        %dma_wait3A_177 = arith.constant 0 : i32
        %dma_wait3A_178 = tpu.memref_slice %arg8[%dma_wait3A_165, %dma_wait3A_176, %dma_wait3A_177] : memref<2x128x64xf32, #tpu.memory_space<vmem>> -> memref<1x128x64xf32, #tpu.memory_space<vmem>>
        %dma_wait3A_179 = tpu.memref_squeeze %dma_wait3A_178 : memref<1x128x64xf32, #tpu.memory_space<vmem>> -> memref<128x64xf32, #tpu.memory_space<vmem>>
        tpu.wait_dma2 semaphore(%arg13 : memref<!tpu.dma_semaphore, #tpu.memory_space<semaphore_mem>>) src(%dma_wait3A_179 : memref<128x64xf32, #tpu.memory_space<vmem>>) dst(%dma_wait3A_175 : memref<128x64xf32, #tpu.memory_space<hbm>>)
      } else {
      }
      %dma_wait3A_126 = arith.constant 1 : i32
      %dma_wait3A_127 = arith.constant 0 : i32
      %dma_wait3A_128 = arith.constant 0 : i32
      %dma_wait3A_129 = tpu.memref_slice %arg7[%dma_wait3A_126, %dma_wait3A_127, %dma_wait3A_128] : memref<2x128x128xf32, #tpu.memory_space<vmem>> -> memref<1x128x128xf32, #tpu.memory_space<vmem>>
      %dma_wait3A_130 = tpu.memref_squeeze %dma_wait3A_129 : memref<1x128x128xf32, #tpu.memory_space<vmem>> -> memref<128x128xf32, #tpu.memory_space<vmem>>
      %dma_wait3A_131 = arith.constant 0 : i32
      %dma_wait3A_132 = arith.constant 0 : i32
      %dma_wait3A_133 = tpu.memref_slice %arg4[%dma_wait3A_131, %dma_wait3A_132] : memref<1000000x128xf32, #tpu.memory_space<hbm>> -> memref<128x128xf32, #tpu.memory_space<hbm>>
      %dma_wait3A_134 = arith.constant 0 : i32
      %dma_wait3A_135 = arith.constant 0 : i32
      %dma_wait3A_136 = tpu.memref_slice %arg7[%dma_wait3A_126, %dma_wait3A_134, %dma_wait3A_135] : memref<2x128x128xf32, #tpu.memory_space<vmem>> -> memref<1x128x128xf32, #tpu.memory_space<vmem>>
      %dma_wait3A_137 = tpu.memref_squeeze %dma_wait3A_136 : memref<1x128x128xf32, #tpu.memory_space<vmem>> -> memref<128x128xf32, #tpu.memory_space<vmem>>
      %dma_wait3A_138 = arith.constant 0 : i32
      %dma_wait3A_139 = arith.constant 0 : i32
      %dma_wait3A_140 = tpu.memref_slice %arg4[%dma_wait3A_138, %dma_wait3A_139] : memref<1000000x128xf32, #tpu.memory_space<hbm>> -> memref<128x128xf32, #tpu.memory_space<hbm>>
      tpu.wait_dma2 semaphore(%arg11 : memref<!tpu.dma_semaphore, #tpu.memory_space<semaphore_mem>>) src(%dma_wait3A_140 : memref<128x128xf32, #tpu.memory_space<hbm>>) dst(%dma_wait3A_137 : memref<128x128xf32, #tpu.memory_space<vmem>>)
      %mul3A_141 = arith.constant 128 : i32
      %mul3A_142 = arith.muli %mul3A_141, %add3A_116 : i32
      %rem3A_143 = arith.constant 200 : i32
      %rem3A_144 = arith.remsi %mul3A_142, %rem3A_143 : i32
      %parallel_loop3A_145 = arith.constant 0 : i32
      %parallel_loop3A_146 = arith.constant 128 : i32
      %parallel_loop3A_147 = arith.constant 1 : i32
      scf.for %parallel_loop3A_165 = %parallel_loop3A_145 to %parallel_loop3A_146 step %parallel_loop3A_147  : i32 {
        %parallel_loop3A_166 = arith.constant 1 : i32
        %parallel_loop3A_167 = arith.index_cast %parallel_loop3A_166 : i32 to index
        %parallel_loop3A_168 = arith.index_cast %parallel_loop3A_165 : i32 to index
        %parallel_loop3A_169 = arith.constant 0 : index
        %parallel_loop3A_170 = tpu.vector_load %arg7[%parallel_loop3A_167, %parallel_loop3A_168, %parallel_loop3A_169] {strides = array<i32>} : memref<2x128x128xf32, #tpu.memory_space<vmem>>, vector<1x1x16xf32>,
        %parallel_loop3A_171 = vector.shape_cast %parallel_loop3A_170 : vector<1x1x16xf32> to vector<16xf32>
        %parallel_loop3A_172 = arith.addi %rem3A_144, %parallel_loop3A_165 : i32
        %parallel_loop3A_173 = arith.index_cast %parallel_loop3A_172 : i32 to index
        %parallel_loop3A_174 = arith.constant 0 : index
        %parallel_loop3A_175 = tpu.vector_load %arg9[%parallel_loop3A_173, %parallel_loop3A_174] {strides = array<i32>} : memref<400x64xf32, #tpu.memory_space<vmem>>, vector<1x16xf32>,
        %parallel_loop3A_176 = vector.shape_cast %parallel_loop3A_175 : vector<1x16xf32> to vector<16xf32>
        %parallel_loop3A_177 = arith.addf %parallel_loop3A_171, %parallel_loop3A_176 : vector<16xf32>
        %parallel_loop3A_178 = arith.constant 1 : i32
        %parallel_loop3A_179 = arith.index_cast %parallel_loop3A_178 : i32 to index
        %parallel_loop3A_180 = arith.index_cast %parallel_loop3A_165 : i32 to index
        %parallel_loop3A_181 = arith.constant 0 : index
        %parallel_loop3A_182 = tpu.vector_load %arg8[%parallel_loop3A_179, %parallel_loop3A_180, %parallel_loop3A_181] {strides = array<i32>} : memref<2x128x64xf32, #tpu.memory_space<vmem>>, vector<1x1x16xf32>,
        %parallel_loop3A_183 = vector.shape_cast %parallel_loop3A_182 : vector<1x1x16xf32> to vector<16xf32>
        %parallel_loop3A_184 = vector.shape_cast %parallel_loop3A_177 : vector<16xf32> to vector<1x1x16xf32>
        tpu.vector_store %arg8[%parallel_loop3A_179, %parallel_loop3A_180, %parallel_loop3A_181], %parallel_loop3A_184 {strides = array<i32>} : memref<2x128x64xf32, #tpu.memory_space<vmem>>, vector<1x1x16xf32>,
        %parallel_loop3A_185 = arith.constant 1 : i32
        %parallel_loop3A_186 = arith.index_cast %parallel_loop3A_185 : i32 to index
        %parallel_loop3A_187 = arith.index_cast %parallel_loop3A_165 : i32 to index
        %parallel_loop3A_188 = arith.constant 16 : index
        %parallel_loop3A_189 = tpu.vector_load %arg7[%parallel_loop3A_186, %parallel_loop3A_187, %parallel_loop3A_188] {strides = array<i32>} : memref<2x128x128xf32, #tpu.memory_space<vmem>>, vector<1x1x16xf32>,
        %parallel_loop3A_190 = vector.shape_cast %parallel_loop3A_189 : vector<1x1x16xf32> to vector<16xf32>
        %parallel_loop3A_191 = arith.addi %rem3A_144, %parallel_loop3A_165 : i32
        %parallel_loop3A_192 = arith.index_cast %parallel_loop3A_191 : i32 to index
        %parallel_loop3A_193 = arith.constant 16 : index
        %parallel_loop3A_194 = tpu.vector_load %arg9[%parallel_loop3A_192, %parallel_loop3A_193] {strides = array<i32>} : memref<400x64xf32, #tpu.memory_space<vmem>>, vector<1x16xf32>,
        %parallel_loop3A_195 = vector.shape_cast %parallel_loop3A_194 : vector<1x16xf32> to vector<16xf32>
        %parallel_loop3A_196 = arith.addf %parallel_loop3A_190, %parallel_loop3A_195 : vector<16xf32>
        %parallel_loop3A_197 = arith.constant 1 : i32
        %parallel_loop3A_198 = arith.index_cast %parallel_loop3A_197 : i32 to index
        %parallel_loop3A_199 = arith.index_cast %parallel_loop3A_165 : i32 to index
        %parallel_loop3A_200 = arith.constant 16 : index
        %parallel_loop3A_201 = tpu.vector_load %arg8[%parallel_loop3A_198, %parallel_loop3A_199, %parallel_loop3A_200] {strides = array<i32>} : memref<2x128x64xf32, #tpu.memory_space<vmem>>, vector<1x1x16xf32>,
        %parallel_loop3A_202 = vector.shape_cast %parallel_loop3A_201 : vector<1x1x16xf32> to vector<16xf32>
        %parallel_loop3A_203 = vector.shape_cast %parallel_loop3A_196 : vector<16xf32> to vector<1x1x16xf32>
        tpu.vector_store %arg8[%parallel_loop3A_198, %parallel_loop3A_199, %parallel_loop3A_200], %parallel_loop3A_203 {strides = array<i32>} : memref<2x128x64xf32, #tpu.memory_space<vmem>>, vector<1x1x16xf32>,
        %parallel_loop3A_204 = arith.constant 1 : i32
        %parallel_loop3A_205 = arith.index_cast %parallel_loop3A_204 : i32 to index
        %parallel_loop3A_206 = arith.index_cast %parallel_loop3A_165 : i32 to index
        %parallel_loop3A_207 = arith.constant 32 : index
        %parallel_loop3A_208 = tpu.vector_load %arg7[%parallel_loop3A_205, %parallel_loop3A_206, %parallel_loop3A_207] {strides = array<i32>} : memref<2x128x128xf32, #tpu.memory_space<vmem>>, vector<1x1x16xf32>,
        %parallel_loop3A_209 = vector.shape_cast %parallel_loop3A_208 : vector<1x1x16xf32> to vector<16xf32>
        %parallel_loop3A_210 = arith.addi %rem3A_144, %parallel_loop3A_165 : i32
        %parallel_loop3A_211 = arith.index_cast %parallel_loop3A_210 : i32 to index
        %parallel_loop3A_212 = arith.constant 32 : index
        %parallel_loop3A_213 = tpu.vector_load %arg9[%parallel_loop3A_211, %parallel_loop3A_212] {strides = array<i32>} : memref<400x64xf32, #tpu.memory_space<vmem>>, vector<1x16xf32>,
        %parallel_loop3A_214 = vector.shape_cast %parallel_loop3A_213 : vector<1x16xf32> to vector<16xf32>
        %parallel_loop3A_215 = arith.addf %parallel_loop3A_209, %parallel_loop3A_214 : vector<16xf32>
        %parallel_loop3A_216 = arith.constant 1 : i32
        %parallel_loop3A_217 = arith.index_cast %parallel_loop3A_216 : i32 to index
        %parallel_loop3A_218 = arith.index_cast %parallel_loop3A_165 : i32 to index
        %parallel_loop3A_219 = arith.constant 32 : index
        %parallel_loop3A_220 = tpu.vector_load %arg8[%parallel_loop3A_217, %parallel_loop3A_218, %parallel_loop3A_219] {strides = array<i32>} : memref<2x128x64xf32, #tpu.memory_space<vmem>>, vector<1x1x16xf32>,
        %parallel_loop3A_221 = vector.shape_cast %parallel_loop3A_220 : vector<1x1x16xf32> to vector<16xf32>
        %parallel_loop3A_222 = vector.shape_cast %parallel_loop3A_215 : vector<16xf32> to vector<1x1x16xf32>
        tpu.vector_store %arg8[%parallel_loop3A_217, %parallel_loop3A_218, %parallel_loop3A_219], %parallel_loop3A_222 {strides = array<i32>} : memref<2x128x64xf32, #tpu.memory_space<vmem>>, vector<1x1x16xf32>,
        %parallel_loop3A_223 = arith.constant 1 : i32
        %parallel_loop3A_224 = arith.index_cast %parallel_loop3A_223 : i32 to index
        %parallel_loop3A_225 = arith.index_cast %parallel_loop3A_165 : i32 to index
        %parallel_loop3A_226 = arith.constant 48 : index
        %parallel_loop3A_227 = tpu.vector_load %arg7[%parallel_loop3A_224, %parallel_loop3A_225, %parallel_loop3A_226] {strides = array<i32>} : memref<2x128x128xf32, #tpu.memory_space<vmem>>, vector<1x1x16xf32>,
        %parallel_loop3A_228 = vector.shape_cast %parallel_loop3A_227 : vector<1x1x16xf32> to vector<16xf32>
        %parallel_loop3A_229 = arith.addi %rem3A_144, %parallel_loop3A_165 : i32
        %parallel_loop3A_230 = arith.index_cast %parallel_loop3A_229 : i32 to index
        %parallel_loop3A_231 = arith.constant 48 : index
        %parallel_loop3A_232 = tpu.vector_load %arg9[%parallel_loop3A_230, %parallel_loop3A_231] {strides = array<i32>} : memref<400x64xf32, #tpu.memory_space<vmem>>, vector<1x16xf32>,
        %parallel_loop3A_233 = vector.shape_cast %parallel_loop3A_232 : vector<1x16xf32> to vector<16xf32>
        %parallel_loop3A_234 = arith.addf %parallel_loop3A_228, %parallel_loop3A_233 : vector<16xf32>
        %parallel_loop3A_235 = arith.constant 1 : i32
        %parallel_loop3A_236 = arith.index_cast %parallel_loop3A_235 : i32 to index
        %parallel_loop3A_237 = arith.index_cast %parallel_loop3A_165 : i32 to index
        %parallel_loop3A_238 = arith.constant 48 : index
        %parallel_loop3A_239 = tpu.vector_load %arg8[%parallel_loop3A_236, %parallel_loop3A_237, %parallel_loop3A_238] {strides = array<i32>} : memref<2x128x64xf32, #tpu.memory_space<vmem>>, vector<1x1x16xf32>,
        %parallel_loop3A_240 = vector.shape_cast %parallel_loop3A_239 : vector<1x1x16xf32> to vector<16xf32>
        %parallel_loop3A_241 = vector.shape_cast %parallel_loop3A_234 : vector<16xf32> to vector<1x1x16xf32>
        tpu.vector_store %arg8[%parallel_loop3A_236, %parallel_loop3A_237, %parallel_loop3A_238], %parallel_loop3A_241 {strides = array<i32>} : memref<2x128x64xf32, #tpu.memory_space<vmem>>, vector<1x1x16xf32>,
      } {sc.loop_unroll_factor = 8 : i64, sc.parallel_access}
      %mul3A_148 = arith.constant 128 : i32
      %mul3A_149 = arith.muli %mul3A_148, %add3A_116 : i32
      %add3A_150 = arith.addi %mul3A_2, %mul3A_149 : i32
      %multiple_of3A_151 = tpu.assume_multiple %add3A_150, 128 : i32
      %dma_start3A_152 = arith.constant 1 : i32
      %dma_start3A_153 = arith.constant 0 : i32
      %dma_start3A_154 = arith.constant 0 : i32
      %dma_start3A_155 = tpu.memref_slice %arg8[%dma_start3A_152, %dma_start3A_153, %dma_start3A_154] : memref<2x128x64xf32, #tpu.memory_space<vmem>> -> memref<1x128x64xf32, #tpu.memory_space<vmem>>
      %dma_start3A_156 = tpu.memref_squeeze %dma_start3A_155 : memref<1x128x64xf32, #tpu.memory_space<vmem>> -> memref<128x64xf32, #tpu.memory_space<vmem>>
      %dma_start3A_157 = arith.constant 0 : i32
      %dma_start3A_158 = tpu.memref_slice %arg5[%multiple_of3A_151, %dma_start3A_157] : memref<819200x64xf32, #tpu.memory_space<hbm>> -> memref<128x64xf32, #tpu.memory_space<hbm>>
      %dma_start3A_159 = arith.constant 0 : i32
      %dma_start3A_160 = tpu.memref_slice %arg5[%multiple_of3A_151, %dma_start3A_159] : memref<819200x64xf32, #tpu.memory_space<hbm>> -> memref<128x64xf32, #tpu.memory_space<hbm>>
      %dma_start3A_161 = arith.constant 0 : i32
      %dma_start3A_162 = arith.constant 0 : i32
      %dma_start3A_163 = tpu.memref_slice %arg8[%dma_start3A_152, %dma_start3A_161, %dma_start3A_162] : memref<2x128x64xf32, #tpu.memory_space<vmem>> -> memref<1x128x64xf32, #tpu.memory_space<vmem>>
      %dma_start3A_164 = tpu.memref_squeeze %dma_start3A_163 : memref<1x128x64xf32, #tpu.memory_space<vmem>> -> memref<128x64xf32, #tpu.memory_space<vmem>>
      tpu.enqueue_dma source(%dma_start3A_164 : memref<128x64xf32, #tpu.memory_space<vmem>>) target(%dma_start3A_160 : memref<128x64xf32, #tpu.memory_space<hbm>>) target_semaphore(%arg13 : memref<!tpu.dma_semaphore, #tpu.memory_space<semaphore_mem>>)
    }
    %scan3A_20 = arith.constant 100 : i32
    %dma_wait3A = arith.constant 0 : i32
    %dma_wait3A_21 = arith.constant 0 : i32
    %dma_wait3A_22 = arith.constant 0 : i32
    %dma_wait3A_23 = tpu.memref_slice %arg8[%dma_wait3A, %dma_wait3A_21, %dma_wait3A_22] : memref<2x128x64xf32, #tpu.memory_space<vmem>> -> memref<1x128x64xf32, #tpu.memory_space<vmem>>
    %dma_wait3A_24 = tpu.memref_squeeze %dma_wait3A_23 : memref<1x128x64xf32, #tpu.memory_space<vmem>> -> memref<128x64xf32, #tpu.memory_space<vmem>>
    %dma_wait3A_25 = arith.constant 0 : i32
    %dma_wait3A_26 = arith.constant 0 : i32
    %dma_wait3A_27 = tpu.memref_slice %arg5[%dma_wait3A_25, %dma_wait3A_26] : memref<819200x64xf32, #tpu.memory_space<hbm>> -> memref<128x64xf32, #tpu.memory_space<hbm>>
    %dma_wait3A_28 = arith.constant 0 : i32
    %dma_wait3A_29 = arith.constant 0 : i32
    %dma_wait3A_30 = tpu.memref_slice %arg5[%dma_wait3A_28, %dma_wait3A_29] : memref<819200x64xf32, #tpu.memory_space<hbm>> -> memref<128x64xf32, #tpu.memory_space<hbm>>
    %dma_wait3A_31 = arith.constant 0 : i32
    %dma_wait3A_32 = arith.constant 0 : i32
    %dma_wait3A_33 = tpu.memref_slice %arg8[%dma_wait3A, %dma_wait3A_31, %dma_wait3A_32] : memref<2x128x64xf32, #tpu.memory_space<vmem>> -> memref<1x128x64xf32, #tpu.memory_space<vmem>>
    %dma_wait3A_34 = tpu.memref_squeeze %dma_wait3A_33 : memref<1x128x64xf32, #tpu.memory_space<vmem>> -> memref<128x64xf32, #tpu.memory_space<vmem>>
    tpu.wait_dma2 semaphore(%arg12 : memref<!tpu.dma_semaphore, #tpu.memory_space<semaphore_mem>>) src(%dma_wait3A_34 : memref<128x64xf32, #tpu.memory_space<vmem>>) dst(%dma_wait3A_30 : memref<128x64xf32, #tpu.memory_space<hbm>>)
    %dma_wait3A_35 = arith.constant 1 : i32
    %dma_wait3A_36 = arith.constant 0 : i32
    %dma_wait3A_37 = arith.constant 0 : i32
    %dma_wait3A_38 = tpu.memref_slice %arg8[%dma_wait3A_35, %dma_wait3A_36, %dma_wait3A_37] : memref<2x128x64xf32, #tpu.memory_space<vmem>> -> memref<1x128x64xf32, #tpu.memory_space<vmem>>
    %dma_wait3A_39 = tpu.memref_squeeze %dma_wait3A_38 : memref<1x128x64xf32, #tpu.memory_space<vmem>> -> memref<128x64xf32, #tpu.memory_space<vmem>>
    %dma_wait3A_40 = arith.constant 0 : i32
    %dma_wait3A_41 = arith.constant 0 : i32
    %dma_wait3A_42 = tpu.memref_slice %arg5[%dma_wait3A_40, %dma_wait3A_41] : memref<819200x64xf32, #tpu.memory_space<hbm>> -> memref<128x64xf32, #tpu.memory_space<hbm>>
    %dma_wait3A_43 = arith.constant 0 : i32
    %dma_wait3A_44 = arith.constant 0 : i32
    %dma_wait3A_45 = tpu.memref_slice %arg5[%dma_wait3A_43, %dma_wait3A_44] : memref<819200x64xf32, #tpu.memory_space<hbm>> -> memref<128x64xf32, #tpu.memory_space<hbm>>
    %dma_wait3A_46 = arith.constant 0 : i32
    %dma_wait3A_47 = arith.constant 0 : i32
    %dma_wait3A_48 = tpu.memref_slice %arg8[%dma_wait3A_35, %dma_wait3A_46, %dma_wait3A_47] : memref<2x128x64xf32, #tpu.memory_space<vmem>> -> memref<1x128x64xf32, #tpu.memory_space<vmem>>
    %dma_wait3A_49 = tpu.memref_squeeze %dma_wait3A_48 : memref<1x128x64xf32, #tpu.memory_space<vmem>> -> memref<128x64xf32, #tpu.memory_space<vmem>>
    tpu.wait_dma2 semaphore(%arg13 : memref<!tpu.dma_semaphore, #tpu.memory_space<semaphore_mem>>) src(%dma_wait3A_49 : memref<128x64xf32, #tpu.memory_space<vmem>>) dst(%dma_wait3A_45 : memref<128x64xf32, #tpu.memory_space<hbm>>)
    return
  }
}

</mosaic_0001>

<sc_bundles>
// kernel: kernel.3.cloned.1.call-start
scs
__scs_entry_jumppad:
0x0: {  	(pc) =	sbr.rel $0x88, $3  }
0x1: {  	(tag) =	ssettag $0x0;
	lr =	simm.s32 $0x1  }
0x2: {  	[smem:$0x3F9F] =	sst lr;
	_ =	strace $0xD0000000  }
0x3: {  	_ = 	snop  }
0x4: {  	_ = 	snop  }
0x5: {  	_ = 	snop  }
0x6: {  	_ = 	snop  }
0x7: {  	_ = 	snop  }
__scs_overlays_trampoline_lowered:
0x8: {  	[smem:$0x3FAE] =	sst s0  }
0x9: {  	[smem:$0x3FAF] =	sst s1  }
0xa: {  	[smem:$0x3FB0] =	sst s2  }
0xb: {  	[smem:$0x3FB1] =	sst s3  }
0xc: {  	[smem:$0x3FB2] =	sst s4  }
0xd: {  	[smem:$0x3FB3] =	sst s5  }
0xe: {  	[smem:$0x3FB4] =	sst s6  }
0xf: {  	[smem:$0x3FB5] =	sst s7  }
0x10: {  	[smem:$0x3FB6] =	sst s8  }
0x11: {  	[smem:$0x3FB7] =	sst s9;
	s0 =	simm.s32 @!p0 $0x0  }
0x12: {  	s1 =	sld [smem:$0x3F9D];
	s0 =	simm.s32 @p0 $0x1  }
0x13: {  	[smem:$0x3FB8] =	sst s0;
	s0 =	simm.s32 @!p1 $0x0  }
0x14: {  	s2 =	sld [smem:$0x3F9C];
	s0 =	simm.s32 @p1 $0x1  }
0x15: {  	[smem:$0x3FB9] =	sst s0;
	s0 =	simm.s32 @!p2 $0x0  }
0x16: {  	s3 =	sld [smem:$0x3FDB];
	s0 =	simm.s32 @p2 $0x1  }
0x17: {  	s4 =	simm.s32 $0x1BF5;
	[smem:$0x3FBB] =	sst s0  }
0x18: {  	s0 =	sld [smem:$0x3F9E];
	_ =	swait.ge [sflag:s4], $0x0  }
0x19: {  	s7 =	sld [smem:$0x3F9F]  }
0x1a: {  	s8 =	sadd.s32 $0xFFFFE003, lr  }
0x1b: {  	s9 =	sadd.s32 $0xFFFFFEF7, lr;
	s5 =	simm.s32 $0xFFFFFFFF;
	p2 =	slt.u32 s8, $0xFFFFF086  }
0x1c: {  	p1 =	slt.u32 s9, $0xF7A;
	s5 =	simm.s32 @!p2 $0x0  }
0x1d: {  	s5 =	simm.s32 @p1 $0x1;
	p0 =	seq.s32 s7, s2  }
0x1e: {  	s7 =	smul.u32 @!p0 $0xF7A, s2;
	p2 =	seq.s32 @!p0 s5, $0x0  }
0x1f: {  	s9 =	smul.u32 $0xF7A, s1;
	s8 =	simm.s32 @!p0 $0x1BF5;
	p2 =	por !p2, p0  }
0x20: {  	[sflag:s8] =	ssyncset.s32 @!p0 $0xFFFFF086;
	s6 =	sadd.s32 @!p0 s3, s7;
	s7 =	simm.s32 @!p0 $0x108  }
0x21: {  	s3 =	sadd.s32 s3, s9;
	s6 =	sadd.s32 @!p0 $0x88, s6;
	s7 =	simm.s32 @p2 $0x1082  }
0x22: {  	[simem:s7], [sflag:s8] =	dma.local @!p0 [hbm:s6], $0xF7A  }
0x23: {  	s9 =	sor.u32 $0xD0000000, s2;
	s6 =	simm.s32 $0x108;
	_ =	swait.ge @!p0 [sflag:s8], $0x0  }
0x24: {  	s3 =	sadd.s32 $0x88, s3;
	s6 =	simm.s32 @!p1 $0x1082;
	[sflag:s4] =	ssyncset.s32 $0xFFFFF086  }
0x25: {  	[simem:s6], [sflag:s4] =	dma.local [hbm:s3], $0xF7A  }
0x26: {  	[smem:$0x3F9F] =	sst s1;
	(tag) =	ssettag s2;
	_ =	strace s9  }
0x27: {  	s1 =	sld [smem:$0x3FAF]  }
0x28: {  	s2 =	sld [smem:$0x3FB0]  }
0x29: {  	s4 =	sld [smem:$0x3FB2]  }
0x2a: {  	p0 =	seq.s32 s5, $0x0;
	s5 =	sld [smem:$0x3FB3]  }
0x2b: {  	s6 =	sld [smem:$0x3FB4]  }
0x2c: {  	s7 =	sld [smem:$0x3FB5]  }
0x2d: {  	s3 =	simm.s32 $0x108;
	s8 =	sld [smem:$0x3FB6]  }
0x2e: {  	s3 =	simm.s32 @!p0 $0x1082;
	s9 =	sld [smem:$0x3FB7]  }
0x2f: {  	lr =	sadd.s32 s0, s3;
	s0 =	sld [smem:$0x3FAE]  }
0x30: {  	s3 =	sld [smem:$0x3FB1]  }
0x31: {  	[smem:$0x3FBA] =	sst s10  }
0x32: {  	s10 =	sld [smem:$0x3FB8];
	_ =	sdelay $0x3  }
0x33: {  	p0 =	seq.s32 s10, $0x1;
	s10 =	sld [smem:$0x3FBA];
	_ =	sdelay $0x3  }
0x34: {  	[smem:$0x3FBA] =	sst s10  }
0x35: {  	s10 =	sld [smem:$0x3FB9];
	_ =	sdelay $0x3  }
0x36: {  	p1 =	seq.s32 s10, $0x1;
	s10 =	sld [smem:$0x3FBA];
	_ =	sdelay $0x3  }
0x37: {  	[smem:$0x3FBA] =	sst s10  }
0x38: {  	s10 =	sld [smem:$0x3FBB]  }
0x39: {  	_ = 	snop;
	(pc) =	sbr.ind lr, $3  }
0x3a: {  	_ = 	snop  }
0x3b: {  	_ = 	snop  }
0x3c: {  	p2 =	seq.s32 s10, $0x1;
	s10 =	sld [smem:$0x3FBA]  }
0x3d: {  	_ =	shalt  }
0x3e: {  	_ =	shalt  }
0x3f: {  	_ =	shalt  }
0x40: {  	_ =	shalt  }
0x41: {  	_ =	shalt  }
0x42: {  	_ =	shalt  }
0x43: {  	_ =	shalt  }
0x44: {  	_ =	shalt  }
0x45: {  	_ =	shalt  }
0x46: {  	_ =	shalt  }
0x47: {  	_ =	shalt  }
0x48: {  	_ =	shalt  }
0x49: {  	_ =	shalt  }
0x4a: {  	_ =	shalt  }
0x4b: {  	_ =	shalt  }
0x4c: {  	_ =	shalt  }
0x4d: {  	_ =	shalt  }
0x4e: {  	_ =	shalt  }
0x4f: {  	_ =	shalt  }
0x50: {  	_ =	shalt  }
0x51: {  	_ =	shalt  }
0x52: {  	_ =	shalt  }
0x53: {  	_ =	shalt  }
0x54: {  	_ =	shalt  }
0x55: {  	_ =	shalt  }
0x56: {  	_ =	shalt  }
0x57: {  	_ =	shalt  }
0x58: {  	_ =	shalt  }
0x59: {  	_ =	shalt  }
0x5a: {  	_ =	shalt  }
0x5b: {  	_ =	shalt  }
0x5c: {  	_ =	shalt  }
0x5d: {  	_ =	shalt  }
0x5e: {  	_ =	shalt  }
0x5f: {  	_ =	shalt  }
0x60: {  	_ =	shalt  }
0x61: {  	_ =	shalt  }
0x62: {  	_ =	shalt  }
0x63: {  	_ =	shalt  }
0x64: {  	_ =	shalt  }
0x65: {  	_ =	shalt  }
0x66: {  	_ =	shalt  }
0x67: {  	_ =	shalt  }
0x68: {  	_ =	shalt  }
0x69: {  	_ =	shalt  }
0x6a: {  	_ =	shalt  }
0x6b: {  	_ =	shalt  }
0x6c: {  	_ =	shalt  }
0x6d: {  	_ =	shalt  }
0x6e: {  	_ =	shalt  }
0x6f: {  	_ =	shalt  }
0x70: {  	_ =	shalt  }
0x71: {  	_ =	shalt  }
0x72: {  	_ =	shalt  }
0x73: {  	_ =	shalt  }
0x74: {  	_ =	shalt  }
0x75: {  	_ =	shalt  }
0x76: {  	_ =	shalt  }
0x77: {  	_ =	shalt  }
0x78: {  	_ =	shalt  }
0x79: {  	_ =	shalt  }
0x7a: {  	_ =	shalt  }
0x7b: {  	_ =	shalt  }
0x7c: {  	_ =	shalt  }
0x7d: {  	_ =	shalt  }
0x7e: {  	_ =	shalt  }
0x7f: {  	_ =	shalt  }
0x80: {  	_ =	shalt  }
0x81: {  	_ =	shalt  }
0x82: {  	_ =	shalt  }
0x83: {  	_ =	shalt  }
0x84: {  	_ =	shalt  }
0x85: {  	_ =	shalt  }
0x86: {  	_ =	shalt  }
0x87: {  	_ =	shalt  }
.Lfunc_end0:
.L_simem_size_0:
called_computation.1_lowered:
.L_overlay_start_0:
0x88: {  	s2 =	sld [smem:$0x3FD9]  }
0x89: {  	s3 =	sld [smem:$0x3FFE];
	_ =	sdelay $0x1  }
0x8a: {  	s1 =	srdreg.scid  }
0x8b: {  	s0 =	sand.u32 $0x1, s1  }
0x8c: {  	s17 =	sshll.u32 s0, $0xA;
	s2 =	sadd.s32 s3, s2  }
0x8d: {  	s2 =	sadd.s32 s2, s17  }
0x8e: {  	[smem:$0x3FC6] =	sst s2  }
0x8f: {  	_ = 	snop  }
0x90: {  	s2 =	sld [smem:$0x3FD0];
	(tm) =	ssettm $0x1  }
0x91: {  	s18 =	sld [smem:$0x3FFB];
	_ =	sdelay $0x3  }
0x92: {  	_ =	strace s18  }
0x93: {  	s3 =	sld [smem:$0x3FFC];
	_ =	sdelay $0x3  }
0x94: {  	_ =	strace s3  }
0x95: {  	s3 =	sld [smem:$0x3FFD];
	_ =	sdelay $0x3  }
0x96: {  	_ =	strace s3  }
0x97: {  	_ =	strace $0x8FFFFFFF  }
0x98: {  	s19 =	sld [smem:$0x3FDB];
	_ =	sdelay $0x1  }
0x99: {  	s4 =	simm.s32 $_scs_section_size  }
0x9a: {  	s5 =	simm.s32 $_size__tile_overlayer_lowered;
	s6 =	simm.s32 $_tile_overlayer_lowered  }
0x9b: {  	s22 =	simm.s32 $0x1BFF;
	s21 =	sshll.u32 s6, $0x1;
	s3 =	sadd.s32 s4, s19  }
0x9c: {  	s7 =	simm.s32 $0x0;
	s20 =	sshll.u32 s5, $0x1;
	s5 =	sadd.s32 s21, s3  }
0x9d: {  	[timem:s7], [sflag:s22] =	dma.local [hbm:s5], s20  }
0x9e: {  	_ =	swait.ge [sflag:s22], s20  }
0x9f: {  	s4 =	ssub.s32 $0x0, s20;
	[sflag:s22] =	ssyncset.done $0x0  }
0xa0: {  	[sflag:s22] =	ssyncadd.s32 s4;
	_ =	sdelay $0x1  }
0xa1: {  	s23 =	simm.s32 $0x1B8B  }
0xa2: {  	_ =	swait.ge [sflag:s23], $0x1  }
0xa3: {  	[sflag:s23] =	ssyncset.done $0x0  }
0xa4: {  	s25 =	simm.s32 $0x1B8E;
	s24 =	sld [smem:$0x3FFE];
	[sflag:s23] =	ssyncadd.s32 $0xFFFFFFFF  }
0xa5: {  	s26 =	simm.s32 $execute0_lowered;
	[smem:$0x3FD2] =	sst s25  }
0xa6: {  	s5 =	sshll.u32 s26, $0x1;
	_ =	strace $0x80000046;
	[dreg:$0x1] =	wrdreg $0xFFFFFFFF  }
0xa7: {  	s28 =	simm.s32 $_size_execute0_lowered;
	s3 =	sadd.s32 s3, s5;
	[dreg:$0x0] =	wrdreg $0x0  }
0xa8: {  	s5 =	sshll.u32 s28, $0x1;
	[dreg:$0x2] =	wrdreg s3  }
0xa9: {  	[dreg:$0x3] =	wrdreg s5  }
0xaa: {  	[dreg:$0x4] =	wrdreg $0xC0  }
0xab: {  	_ =	task [dreg:s7], $0x5FFFF  }
0xac: {  	[dreg:$0x1] =	wrdreg $0xFFFFFFFF  }
0xad: {  	[dreg:$0x0] =	wrdreg $0x60  }
0xae: {  	[dreg:$0x2] =	wrdreg s2  }
0xaf: {  	[dreg:$0x3] =	wrdreg s24  }
0xb0: {  	[dreg:$0x4] =	wrdreg $0x9  }
0xb1: {  	_ =	task.clear_ibuf [dreg:s7], $0x5FFFF;
	_ =	strace $0x90000046  }
0xb2: {  	s29 =	simm.s32 $0x9;
	_ =	strace $0x80000048  }
0xb3: {  	_ =	swait.ge [sflag:s29], $0x1  }
0xb4: {  	[sflag:s29] =	ssyncadd.s32 $0xFFFFFFFF  }
0xb5: {  	_ =	strace $0x90000048  }
0xb6: {  	_ =	sfence  }
0xb7: {  	s30 =	sld [smem:$0x0];
	_ =	sdelay $0x2  }
0xb8: {  	s31 =	sshll.u32 s1, $0xD;
	s1 =	sshrl.u32 s1, $0x2  }
0xb9: {  	s3 =	sand.u32 $0x4000, s31;
	s1 =	sadd.s32 s1, s30  }
0xba: {  	s0 =	sor.u32 s3, s0;
	s1 =	sshll.u32 s1, $0x11  }
0xbb: {  	s0 =	sor.u32 s1, s0  }
0xbc: {  	s0 =	sadd.s32 $0x8F2B, s0  }
0xbd: {  	[sflag:s0] =	ssyncadd.remote.s32 $0x1  }
0xbe: {  	_ =	sfence.sel $0xFFFF  }
0xbf: {  	[dreg:$0x0] =	wrdreg $0xFFFFFFFF;
	(pc) =	sbr.abs _section_cstart, $3  }
0xc0: {  	[dreg:$0x1] =	wrdreg $0xFFFFFFFF  }
0xc1: {  	_ =	task.clear_ibuf [dreg:s7], $0x2FFFF;
	_ =	strace $0x9FFFFFFF  }
0xc2: {  	(tm) =	ssettm $0x7FFFFFFF  }
0xc3: {  	_ =	shalt  }
tec
execute0_lowered:
.L_overlay_start_1:
0x0: {  	(tag) =	ssettag $0x1  }
0x1: {  	s2 =	rddreg [dreg:$0x0]  }
0x2: {  	s0 =	rddreg [dreg:$0x1]  }
0x3: {  	s1 =	srdreg.scid;
	s4 =	stileid.u32  }
0x4: {  	s3 =	simm.s32 $0x0;
	s12 =	simm.s32 $0x5;
	s14 =	simm.s32 $0x80  }
0x5: {  	s15 =	simm.s32 $0x4100;
	s16 =	simm.s32 $0x1;
	s17 =	simm.s32 $0x8100  }
0x6: {  	s18 =	simm.s32 $0x2;
	s19 =	simm.s32 $0xC100;
	s20 =	simm.s32 $0x3  }
0x7: {  	s21 =	simm.s32 $0x4;
	s1 =	sand.u32 $0x1, s1;
	s4 =	sshll.u32 s4, $0x1  }
0x8: {  	s22 =	simm.s32 $0x0;
	[smem:$0x7FF] =	sst s3;
	s4 =	sor.u32 s1, s4  }
0x9: {  	s5 =	sadd.s32 $0xC00, s0;
	s1 =	ssub.s32 $0x2, s1;
	s4 =	smul.u32 $0x6400, s4  }
0xa: {  	s6 =	sadd.s32 $0xF43000, s0;
	s7 =	sadd.s32 $0x2600, s0;
	s8 =	sshrl.u32 s1, $0x1  }
0xb: {  	_ =	strace $0x80000047;
	s30 =	ssub.s32 s1, s8;
	s31 =	sshrl.u32 s4, $0x3  }
0xc: {  	s9 =	sor.u32 $0x100, s4;
	s10 =	smax.u32 s30, $0x1;
	s8 =	sadd.s32 s2, s31  }
.LBB2_1:
0xd: {  	s0 =	simm.s32 $0x10100  }
0xe: {  	[tilespmem:s0], [sflag:$0x5] =	stream.linear.gather [hbm4b:s5+s3], $0xC800, $0x38;
	[tilespmem:$0x1C900] =	vst v63  }
0xf: {  	_ =	swait.ge [sflag:s12], $0xC800  }
0x10: {  	[sflag:s12] =	ssyncset.done $0x0  }
0x11: {  	[sflag:s12] =	ssyncadd.s32 $0xFFFF3800  }
0x12: {  	[tilespmem:s3], [sflag:$0x5] =	stream.linear.gather [hbm4b:s8+s3], $0x80, $0x38;
	[tilespmem:$0x1C900] =	vst v63  }
0x13: {  	s31 =	simm.s32 $0x100;
	s23 =	simm.s32 $0x104B0;
	_ =	swait.ge [sflag:s12], $0x80  }
0x14: {  	s24 =	simm.s32 $0x14100;
	s25 =	simm.s32 $0x80;
	[sflag:s12] =	ssyncset.done $0x0  }
0x15: {  	s26 =	simm.s32 $0x0;
	s28 =	simm.s32 $0x0;
	[sflag:s12] =	ssyncadd.s32 $0xFFFFFF80  }
0x16: {  	[tilespmem:s31], [sflag:$0x1] =	stream.indirect.gather [hbm4b:s6+s14], $0x80, s3, s14, $0xb8;
	[tilespmem:$0x1C900] =	vst v63  }
.LBB2_2:
0x17: {  	s30 =	sshll.u32 s28, $0x8  }
0x18: {  	s0 =	sadd.s32 s30, s4  }
0x19: {  	s29 =	sadd.s32 $0x80, s0  }
0x1a: {  	s0 =	sshrl.u32 s29, $0x3  }
0x1b: {  	s0 =	sadd.s32 s2, s0  }
0x1c: {  	[tilespmem:s14], [sflag:$0x5] =	stream.linear.gather [hbm4b:s0+s3], $0x80, $0x38;
	[tilespmem:$0x1C900] =	vst v63  }
0x1d: {  	_ =	swait.ge [sflag:s12], $0x80  }
0x1e: {  	p0 =	seq.s32 s28, $0x0;
	[sflag:s12] =	ssyncset.done $0x0  }
0x1f: {  	s0 =	simm.s32 @!p0 $0x3;
	[sflag:s12] =	ssyncadd.s32 $0xFFFFFF80  }
0x20: {  	[tilespmem:s15], [sflag:$0x2] =	stream.indirect.gather [hbm4b:s6+s14], $0x80, s14, s14, $0xb8;
	[tilespmem:$0x1C900] =	vst v63  }
0x21: {  	s1 =	smulhi.u32 $0x51EB851F, s26;
	_ =	swait.ge @!p0 [sflag:s0], $0x4000  }
0x22: {  	[sflag:s0] =	ssyncset.done @!p0 $0x0  }
0x23: {  	s1 =	sshrl.u32 s1, $0x6;
	[sflag:s0] =	ssyncadd.s32 @!p0 $0xFFFFC000  }
0x24: {  	s11 =	smul.u32 $0xFFFE7000, s1;
	_ =	swait.ge [sflag:s16], $0x4000  }
0x25: {  	[sflag:s16] =	ssyncset.done $0x0  }
0x26: {  	s13 =	simm.s32 $0x300;
	s0 =	sshra.s32 s11, $0x2;
	[sflag:s16] =	ssyncadd.s32 $0xFFFFC000  }
0x27: {  	s0 =	sadd.s32 s0, s23;
	v0 =	vld [tilespmem:s13+$0x180]  }
0x28: {  	v1 =	vld [tilespmem:s0+$0xFFFFFFD0]  }
0x29: {  	v2 =	vld [tilespmem:s0+$0xFFFFFC50]  }
0x2a: {  	v3 =	vld [tilespmem:s13+$0xFFFFFE80]  }
0x2b: {  	v4 =	vld [tilespmem:s0+$0xFFFFFCD0]  }
0x2c: {  	v5 =	vld [tilespmem:s13+$0xFFFFFF00]  }
0x2d: {  	v6 =	vld [tilespmem:s0+$0xFFFFFD50]  }
0x2e: {  	v7 =	vld [tilespmem:s0+$0xFFFFFDD0]  }
0x2f: {  	v9 =	vld [tilespmem:s13+$0x0]  }
0x30: {  	v10 =	vld [tilespmem:s0+$0xFFFFFE50]  }
0x31: {  	v11 =	vld [tilespmem:s13+$0x80]  }
0x32: {  	v12 =	vld [tilespmem:s0+$0xFFFFFED0];
	v0 =	vadd.f32 v1, v0  }
0x33: {  	s31 =	simm.s32 $0x8300;
	v1 =	vld [tilespmem:s13+$0xFFFFFF80]  }
0x34: {  	v3 =	vadd.f32 v4, v3;
	v4 =	vld [tilespmem:s13+$0xFFFFFE00];
	[tilespmem:s31+$0x180] =	vst v0  }
0x35: {  	v0 =	vld [tilespmem:s13+$0x190]  }
0x36: {  	v8 =	vld [tilespmem:s0+$0xFFFFFFE0]  }
0x37: {  	v13 =	vld [tilespmem:s13+$0x100];
	[tilespmem:s31+$0xFFFFFE80] =	vst v3;
	v3 =	vadd.f32 v6, v5  }
0x38: {  	v6 =	vld [tilespmem:s13+$0xFFFFFE90]  }
0x39: {  	[tilespmem:s31+$0xFFFFFF00] =	vst v3;
	v3 =	vld [tilespmem:s0+$0xFFFFFCE0];
	v1 =	vadd.f32 v7, v1  }
0x3a: {  	v2 =	vadd.f32 v2, v4;
	v4 =	vld [tilespmem:s13+$0xFFFFFF10]  }
0x3b: {  	[tilespmem:s31+$0xFFFFFF80] =	vst v1;
	v1 =	vld [tilespmem:s0+$0xFFFFFD60];
	v0 =	vadd.f32 v8, v0  }
0x3c: {  	[tilespmem:s31+$0xFFFFFE00] =	vst v2;
	v2 =	vld [tilespmem:s13+$0xFFFFFF90]  }
0x3d: {  	v54 =	vld [tilespmem:s0+$0xFFFFFDE0];
	[tilespmem:s31+$0x190] =	vst v0  }
0x3e: {  	v3 =	vadd.f32 v3, v6;
	v0 =	vld [tilespmem:s13+$0x1A0]  }
0x3f: {  	v5 =	vld [tilespmem:s0+$0xFFFFFFF0]  }
0x40: {  	v8 =	vld [tilespmem:s0+$0xFFFFFF50];
	[tilespmem:s31+$0xFFFFFE90] =	vst v3;
	v1 =	vadd.f32 v1, v4  }
0x41: {  	v4 =	vld [tilespmem:s13+$0xFFFFFEA0]  }
0x42: {  	[tilespmem:s31+$0xFFFFFF10] =	vst v1;
	v1 =	vadd.f32 v54, v2;
	v2 =	vld [tilespmem:s0+$0xFFFFFCF0]  }
0x43: {  	v7 =	vld [tilespmem:s0+$0xFFFFFC60]  }
0x44: {  	v57 =	vld [tilespmem:s13+$0xFFFFFF20];
	v0 =	vadd.f32 v5, v0  }
0x45: {  	v5 =	vld [tilespmem:s13+$0xFFFFFE10];
	[tilespmem:s31+$0xFFFFFF90] =	vst v1  }
0x46: {  	v58 =	vld [tilespmem:s13+$0xFFFFFFA0];
	[tilespmem:s31+$0x1A0] =	vst v0;
	v0 =	vadd.f32 v10, v9  }
0x47: {  	v52 =	vld [tilespmem:s13+$0x1B0];
	v2 =	vadd.f32 v2, v4  }
0x48: {  	v53 =	vld [tilespmem:s0+$0x0];
	[tilespmem:s31+$0x0] =	vst v0;
	v0 =	vadd.f32 v12, v11  }
0x49: {  	v55 =	vld [tilespmem:s13+$0x10];
	[tilespmem:s31+$0xFFFFFEA0] =	vst v2  }
0x4a: {  	[tilespmem:s31+$0x80] =	vst v0;
	v0 =	vadd.f32 v8, v13;
	v8 =	vld [tilespmem:s0+$0xFFFFFE60]  }
0x4b: {  	v60 =	vld [tilespmem:s13+$0xFFFFFEB0]  }
0x4c: {  	v56 =	vld [tilespmem:s13+$0x90]  }
0x4d: {  	[tilespmem:s31+$0x100] =	vst v0;
	v0 =	vadd.f32 v7, v5;
	v5 =	vld [tilespmem:s0+$0xFFFFFEE0]  }
0x4e: {  	v7 =	vld [tilespmem:s13+$0x110]  }
0x4f: {  	[tilespmem:s31+$0xFFFFFE10] =	vst v0;
	v0 =	vld [tilespmem:s0+$0xFFFFFF60]  }
0x50: {  	v6 =	vld [tilespmem:s13+$0xFFFFFE20]  }
0x51: {  	v3 =	vld [tilespmem:s0+$0xFFFFFC70];
	v1 =	vadd.f32 v8, v55  }
0x52: {  	v8 =	vld [tilespmem:s0+$0xFFFFFD70]  }
0x53: {  	[tilespmem:s31+$0x10] =	vst v1;
	v1 =	vadd.f32 v5, v56;
	v5 =	vld [tilespmem:s0+$0xFFFFFDF0]  }
0x54: {  	v59 =	vld [tilespmem:s13+$0x20]  }
0x55: {  	[tilespmem:s31+$0x90] =	vst v1;
	v0 =	vadd.f32 v0, v7;
	v1 =	vld [tilespmem:s0+$0xFFFFFE70]  }
0x56: {  	v7 =	vld [tilespmem:s13+$0xA0]  }
0x57: {  	v3 =	vadd.f32 v3, v6;
	[tilespmem:s31+$0x110] =	vst v0;
	v0 =	vld [tilespmem:s0+$0xFFFFFEF0]  }
0x58: {  	v2 =	vadd.f32 v8, v57;
	v6 =	vld [tilespmem:s13+$0x120]  }
0x59: {  	[tilespmem:s31+$0xFFFFFE20] =	vst v3;
	v3 =	vld [tilespmem:s0+$0xFFFFFF70]  }
0x5a: {  	[tilespmem:s31+$0xFFFFFF20] =	vst v2;
	v2 =	vadd.f32 v5, v58;
	v5 =	vld [tilespmem:s0+$0xFFFFFD00]  }
0x5b: {  	v4 =	vld [tilespmem:s13+$0xFFFFFE30]  }
0x5c: {  	v8 =	vld [tilespmem:s0+$0xFFFFFC80]  }
0x5d: {  	v61 =	vld [tilespmem:s13+$0xFFFFFF30]  }
0x5e: {  	v62 =	vld [tilespmem:s0+$0xFFFFFD80];
	[tilespmem:s31+$0xFFFFFFA0] =	vst v2;
	v1 =	vadd.f32 v1, v59  }
0x5f: {  	v2 =	vadd.f32 v53, v52;
	v63 =	vld [tilespmem:s13+$0xFFFFFFB0]  }
0x60: {  	s11 =	smulhi.u32 $0x51EB851F, s25;
	[tilespmem:s31+$0x20] =	vst v1;
	v1 =	vadd.f32 v0, v7;
	v7 =	vld [tilespmem:s0+$0xFFFFFE00]  }
0x61: {  	[tilespmem:s31+$0x1B0] =	vst v2;
	v3 =	vadd.f32 v3, v6;
	v0 =	vld [tilespmem:s13+$0x30]  }
0x62: {  	s11 =	sshrl.u32 s11, $0x6;
	v2 =	vld [tilespmem:s0+$0xFFFFFE80];
	[tilespmem:s31+$0xA0] =	vst v1;
	v4 =	vadd.f32 v8, v4  }
0x63: {  	s11 =	smul.u32 $0xFFFE7000, s11;
	[tilespmem:s31+$0x120] =	vst v3;
	v3 =	vadd.f32 v5, v60;
	v1 =	vld [tilespmem:s13+$0xB0]  }
0x64: {  	v5 =	vadd.f32 v62, v61;
	[tilespmem:s31+$0xFFFFFE30] =	vst v4;
	v4 =	vld [tilespmem:s0+$0xFFFFFF00]  }
0x65: {  	s11 =	sshra.s32 s11, $0x2;
	[tilespmem:s31+$0xFFFFFEB0] =	vst v3;
	v3 =	vld [tilespmem:s13+$0x130];
	v6 =	vadd.f32 v7, v63  }
0x66: {  	s1 =	sadd.s32 s11, s24;
	s11 =	simm.s32 $0x0;
	[tilespmem:s31+$0xFFFFFF30] =	vst v5;
	v5 =	vld [tilespmem:s0+$0xFFFFFF80];
	s13 =	simm.s32 $0x700  }
.LBB2_3:
0x67: {  	v7 =	vld [tilespmem:s13+$0x180];
	[tilespmem:s31+$0xFFFFFFB0] =	vst v6;
	v0 =	vadd.f32 v2, v0;
	s0 =	sadd.s32 $0x400, s0  }
0x68: {  	v2 =	vld [tilespmem:s0+$0xFFFFFFD0]  }
0x69: {  	v6 =	vld [tilespmem:s0+$0xFFFFFC50];
	[tilespmem:s31+$0x30] =	vst v0;
	v0 =	vadd.f32 v4, v1  }
0x6a: {  	v1 =	vld [tilespmem:s13+$0xFFFFFE80]  }
0x6b: {  	s11 =	sadd.s32 $0x8, s11;
	v4 =	vld [tilespmem:s0+$0xFFFFFCD0];
	[tilespmem:s31+$0xB0] =	vst v0;
	v0 =	vadd.f32 v5, v3  }
0x6c: {  	p0 =	slt.u32 s11, $0x78;
	v3 =	vld [tilespmem:s13+$0xFFFFFF00]  }
0x6d: {  	v5 =	vld [tilespmem:s0+$0xFFFFFD50];
	v2 =	vadd.f32 v2, v7;
	[tilespmem:s31+$0x130] =	vst v0  }
0x6e: {  	s31 =	sadd.s32 $0x400, s31;
	v0 =	vld [tilespmem:s13+$0xFFFFFF80]  }
0x6f: {  	v7 =	vld [tilespmem:s0+$0xFFFFFDD0];
	[tilespmem:s31+$0x180] =	vst v2  }
0x70: {  	v1 =	vadd.f32 v4, v1;
	v2 =	vld [tilespmem:s13+$0x190]  }
0x71: {  	v4 =	vld [tilespmem:s0+$0xFFFFFFE0]  }
0x72: {  	[tilespmem:s31+$0xFFFFFE80] =	vst v1;
	v1 =	vadd.f32 v5, v3;
	v3 =	vld [tilespmem:s13+$0x0]  }
0x73: {  	v5 =	vld [tilespmem:s0+$0xFFFFFE50]  }
0x74: {  	[tilespmem:s31+$0xFFFFFF00] =	vst v1;
	v0 =	vadd.f32 v7, v0;
	v1 =	vld [tilespmem:s13+$0x80]  }
0x75: {  	v7 =	vld [tilespmem:s0+$0xFFFFFED0]  }
0x76: {  	[tilespmem:s31+$0xFFFFFF80] =	vst v0;
	v0 =	vld [tilespmem:s13+$0x100];
	v2 =	vadd.f32 v4, v2  }
0x77: {  	v4 =	vld [tilespmem:s0+$0xFFFFFF50]  }
0x78: {  	v8 =	vld [tilespmem:s13+$0xFFFFFE00];
	v3 =	vadd.f32 v5, v3;
	[tilespmem:s31+$0x190] =	vst v2  }
0x79: {  	v2 =	vld [tilespmem:s13+$0x1A0]  }
0x7a: {  	[tilespmem:s31+$0x0] =	vst v3;
	v1 =	vadd.f32 v7, v1;
	v3 =	vld [tilespmem:s0+$0xFFFFFFF0]  }
0x7b: {  	v5 =	vld [tilespmem:s13+$0xFFFFFE90]  }
0x7c: {  	v7 =	vld [tilespmem:s0+$0xFFFFFCE0];
	[tilespmem:s31+$0x80] =	vst v1;
	v0 =	vadd.f32 v4, v0  }
0x7d: {  	v1 =	vadd.f32 v6, v8;
	v4 =	vld [tilespmem:s13+$0xFFFFFF10]  }
0x7e: {  	v6 =	vld [tilespmem:s0+$0xFFFFFD60];
	[tilespmem:s31+$0x100] =	vst v0  }
0x7f: {  	[tilespmem:s31+$0xFFFFFE00] =	vst v1;
	v0 =	vld [tilespmem:s13+$0xFFFFFF90];
	v1 =	vadd.f32 v3, v2  }
0x80: {  	v2 =	vld [tilespmem:s13+$0xFFFFFE10]  }
0x81: {  	v3 =	vld [tilespmem:s0+$0xFFFFFC60];
	v5 =	vadd.f32 v7, v5;
	[tilespmem:s31+$0x1A0] =	vst v1  }
0x82: {  	v1 =	vld [tilespmem:s13+$0x1B0]  }
0x83: {  	[tilespmem:s31+$0xFFFFFE90] =	vst v5;
	v4 =	vadd.f32 v6, v4;
	v5 =	vld [tilespmem:s0+$0x0]  }
0x84: {  	v6 =	vld [tilespmem:s0+$0xFFFFFDE0]  }
0x85: {  	[tilespmem:s31+$0xFFFFFF10] =	vst v4;
	v4 =	vld [tilespmem:s13+$0x10]  }
0x86: {  	v2 =	vadd.f32 v3, v2;
	v3 =	vld [tilespmem:s0+$0xFFFFFE60]  }
0x87: {  	v7 =	vld [tilespmem:s13+$0x90]  }
0x88: {  	[tilespmem:s31+$0xFFFFFE10] =	vst v2;
	v2 =	vld [tilespmem:s0+$0xFFFFFEE0];
	v1 =	vadd.f32 v5, v1  }
0x89: {  	v0 =	vadd.f32 v6, v0;
	v5 =	vld [tilespmem:s13+$0x110]  }
0x8a: {  	v6 =	vld [tilespmem:s0+$0xFFFFFF60];
	[tilespmem:s31+$0x1B0] =	vst v1  }
0x8b: {  	v1 =	vld [tilespmem:s13+$0xFFFFFE20];
	[tilespmem:s31+$0xFFFFFF90] =	vst v0;
	v0 =	vadd.f32 v3, v4  }
0x8c: {  	v3 =	vld [tilespmem:s0+$0xFFFFFC70]  }
0x8d: {  	v4 =	vld [tilespmem:s13+$0xFFFFFEA0];
	[tilespmem:s31+$0x10] =	vst v0;
	v0 =	vadd.f32 v2, v7  }
0x8e: {  	v2 =	vld [tilespmem:s0+$0xFFFFFCF0]  }
0x8f: {  	v7 =	vld [tilespmem:s13+$0xFFFFFF20];
	[tilespmem:s31+$0x90] =	vst v0;
	v0 =	vadd.f32 v6, v5  }
0x90: {  	v5 =	vld [tilespmem:s0+$0xFFFFFD70]  }
0x91: {  	v1 =	vadd.f32 v3, v1;
	v3 =	vld [tilespmem:s13+$0xFFFFFFA0];
	[tilespmem:s31+$0x110] =	vst v0  }
0x92: {  	v0 =	vld [tilespmem:s0+$0xFFFFFDF0]  }
0x93: {  	[tilespmem:s31+$0xFFFFFE20] =	vst v1;
	v1 =	vadd.f32 v2, v4;
	v2 =	vld [tilespmem:s13+$0x20]  }
0x94: {  	v4 =	vld [tilespmem:s0+$0xFFFFFE70]  }
0x95: {  	[tilespmem:s31+$0xFFFFFEA0] =	vst v1;
	v1 =	vadd.f32 v5, v7;
	v5 =	vld [tilespmem:s13+$0xA0]  }
0x96: {  	v6 =	vld [tilespmem:s0+$0xFFFFFEF0]  }
0x97: {  	[tilespmem:s31+$0xFFFFFF20] =	vst v1;
	v0 =	vadd.f32 v0, v3;
	v1 =	vld [tilespmem:s13+$0x120]  }
0x98: {  	v3 =	vld [tilespmem:s0+$0xFFFFFF70]  }
0x99: {  	v7 =	vld [tilespmem:s13+$0xFFFFFE30];
	[tilespmem:s31+$0xFFFFFFA0] =	vst v0;
	v0 =	vadd.f32 v4, v2  }
0x9a: {  	v2 =	vld [tilespmem:s0+$0xFFFFFC80]  }
0x9b: {  	v4 =	vld [tilespmem:s13+$0xFFFFFEB0];
	[tilespmem:s31+$0x20] =	vst v0;
	v0 =	vadd.f32 v6, v5  }
0x9c: {  	v5 =	vld [tilespmem:s0+$0xFFFFFD00]  }
0x9d: {  	v6 =	vld [tilespmem:s13+$0xFFFFFF30];
	[tilespmem:s31+$0xA0] =	vst v0;
	v0 =	vadd.f32 v3, v1  }
0x9e: {  	v1 =	vld [tilespmem:s0+$0xFFFFFD80]  }
0x9f: {  	v2 =	vadd.f32 v2, v7;
	v3 =	vld [tilespmem:s13+$0xFFFFFFB0];
	[tilespmem:s31+$0x120] =	vst v0  }
0xa0: {  	v7 =	vld [tilespmem:s0+$0xFFFFFE00]  }
0xa1: {  	[tilespmem:s31+$0xFFFFFE30] =	vst v2;
	v4 =	vadd.f32 v5, v4;
	v0 =	vld [tilespmem:s13+$0x30]  }
.Ltmp0:
0xa2: {  	v2 =	vld [tilespmem:s0+$0xFFFFFE80];
	(pc) =	sbr.rel @p0 .LBB2_3-.Ltmp0, $4  }
0xa3: {  	[tilespmem:s31+$0xFFFFFEB0] =	vst v4;
	v5 =	vadd.f32 v1, v6;
	v1 =	vld [tilespmem:s13+$0xB0]  }
0xa4: {  	v4 =	vld [tilespmem:s0+$0xFFFFFF00]  }
0xa5: {  	[tilespmem:s31+$0xFFFFFF30] =	vst v5;
	v6 =	vadd.f32 v7, v3;
	v3 =	vld [tilespmem:s13+$0x130]  }
0xa6: {  	s13 =	sadd.s32 $0x400, s13;
	v5 =	vld [tilespmem:s0+$0xFFFFFF80]  }
0xa7: {  	_ =	sdelay $0x1  }
0xa8: {  	v0 =	vadd.f32 v2, v0  }
0xa9: {  	[tilespmem:s31+$0xFFFFFFB0] =	vst v6;
	v1 =	vadd.f32 v4, v1  }
0xaa: {  	s0 =	sadd.s32 s4, s30;
	[tilespmem:s31+$0x30] =	vst v0;
	v0 =	vadd.f32 v5, v3  }
0xab: {  	s0 =	sshll.u32 s0, $0x4;
	[tilespmem:s31+$0xB0] =	vst v1  }
0xac: {  	p0 =	seq.s32 s28, $0x63;
	s0 =	sadd.s32 s7, s0;
	[tilespmem:s31+$0x130] =	vst v0  }
0xad: {  	[hbm4b:s0+s3] =	stream.linear.scatter [tilespmem:s17], [sflag:$0x3], $0x4000, $0x38;
	[tilespmem:$0x1C900] =	vst v63  }
0xae: {  	s0 =	sadd.s32 @!p0 s30, s9  }
0xaf: {  	s0 =	sshrl.u32 @!p0 s0, $0x3  }
0xb0: {  	s11 =	simm.s32 @!p0 $0x0;
	s0 =	sadd.s32 @!p0 s2, s0  }
0xb1: {  	[tilespmem:s11], [sflag:$0x5] =	stream.linear.gather @!p0 [hbm4b:s0+s11], $0x80, $0x38;
	[tilespmem:$0x1C900] =	vst v63  }
0xb2: {  	s0 =	simm.s32 @!p0 $0x5  }
0xb3: {  	_ =	swait.ge @!p0 [sflag:s0], $0x80  }
0xb4: {  	p1 =	seq.s32 @!p0 s28, $0x0;
	[sflag:s0] =	ssyncset.done @!p0 $0x0  }
0xb5: {  	s13 =	simm.s32 @!p0 $0x100;
	[sflag:s0] =	ssyncadd.s32 @!p0 $0xFFFFFF80;
	s0 =	simm.s32 @!p0 $0x80  }
0xb6: {  	[tilespmem:s13], [sflag:$0x1] =	stream.indirect.gather @!p0 [hbm4b:s6+s0], $0x80, s11, s0, $0xb8;
	[tilespmem:$0x1C900] =	vst v63  }
0xb7: {  	p0 =	por p0, !p1  }
0xb8: {  	_ =	swait.ge @p0 [sflag:s21], $0x4000  }
0xb9: {  	v0 =	vmov s1;
	[sflag:s21] =	ssyncset.done @p0 $0x0  }
0xba: {  	[sflag:s21] =	ssyncadd.s32 @p0 $0xFFFFC000  }
0xbb: {  	_ =	swait.ge [sflag:s18], $0x4000  }
0xbc: {  	[sflag:s18] =	ssyncset.done $0x0  }
0xbd: {  	s30 =	simm.s32 $0x0;
	[sflag:s18] =	ssyncadd.s32 $0xFFFFC000  }
0xbe: {  	v1 =	vld.idx.msk [tilespmem:v0+s30+$0x380 ss:$0x1], $0xffff  }
0xbf: {  	v2 =	vld [tilespmem:s30+$0x4480]  }
0xc0: {  	v3 =	vld.idx.msk [tilespmem:v0+s30+$0x0 ss:$0x1], $0xffff  }
0xc1: {  	v4 =	vld.idx.msk [tilespmem:v0+s30+$0x80 ss:$0x1], $0xffff  }
0xc2: {  	v5 =	vld.idx.msk [tilespmem:v0+s30+$0x100 ss:$0x1], $0xffff  }
0xc3: {  	v6 =	vld.idx.msk [tilespmem:v0+s30+$0x180 ss:$0x1], $0xffff  }
0xc4: {  	v7 =	vld.idx.msk [tilespmem:v0+s30+$0x200 ss:$0x1], $0xffff  }
0xc5: {  	v8 =	vld.idx.msk [tilespmem:v0+s30+$0x300 ss:$0x1], $0xffff  }
0xc6: {  	v9 =	vld [tilespmem:s30+$0x4490]  }
0xc7: {  	v10 =	vld [tilespmem:s30+$0x4100]  }
0xc8: {  	v11 =	vld [tilespmem:s30+$0x4180]  }
0xc9: {  	v12 =	vld [tilespmem:s30+$0x4200]  }
0xca: {  	v13 =	vld [tilespmem:s30+$0x4280]  }
0xcb: {  	v14 =	vld [tilespmem:s30+$0x4300]  }
0xcc: {  	v56 =	vld [tilespmem:s30+$0x4210]  }
0xcd: {  	v57 =	vld [tilespmem:s30+$0x4290]  }
0xce: {  	v58 =	vld [tilespmem:s30+$0x4310]  }
0xcf: {  	v60 =	vld [tilespmem:s30+$0x42A0];
	v1 =	vadd.f32 v1, v2  }
0xd0: {  	v61 =	vld [tilespmem:s30+$0x4320]  }
0xd1: {  	v3 =	vadd.f32 v3, v10;
	v10 =	vld [tilespmem:s30+$0x4400];
	[tilespmem:s30+$0xC480] =	vst v1  }
0xd2: {  	v1 =	vld.idx.msk [tilespmem:v0+s30+$0x390 ss:$0x1], $0xffff  }
0xd3: {  	v62 =	vld [tilespmem:s30+$0x43A0];
	[tilespmem:s30+$0xC100] =	vst v3;
	v3 =	vadd.f32 v5, v12  }
0xd4: {  	v15 =	vld [tilespmem:s30+$0x4130]  }
0xd5: {  	v2 =	vld.idx.msk [tilespmem:v0+s30+$0x280 ss:$0x1], $0xffff;
	[tilespmem:s30+$0xC200] =	vst v3;
	v3 =	vadd.f32 v7, v14  }
0xd6: {  	v5 =	vld [tilespmem:s30+$0x44A0]  }
0xd7: {  	[tilespmem:s30+$0xC300] =	vst v3;
	v3 =	vadd.f32 v8, v10;
	v10 =	vld [tilespmem:s30+$0x44B0];
	v1 =	vadd.f32 v1, v9  }
0xd8: {  	v9 =	vld [tilespmem:s30+$0x4380]  }
0xd9: {  	[tilespmem:s30+$0xC490] =	vst v1;
	v1 =	vadd.f32 v4, v11;
	v11 =	vld [tilespmem:s30+$0x4190]  }
0xda: {  	v4 =	vld.idx.msk [tilespmem:v0+s30+$0x3A0 ss:$0x1], $0xffff  }
0xdb: {  	[tilespmem:s30+$0xC180] =	vst v1;
	v1 =	vadd.f32 v6, v13;
	v6 =	vld.idx.msk [tilespmem:v0+s30+$0x10 ss:$0x1], $0xffff  }
0xdc: {  	v7 =	vld.idx.msk [tilespmem:v0+s30+$0x90 ss:$0x1], $0xffff  }
0xdd: {  	[tilespmem:s30+$0xC280] =	vst v1;
	v1 =	vadd.f32 v2, v9;
	v2 =	vld.idx.msk [tilespmem:v0+s30+$0x110 ss:$0x1], $0xffff  }
0xde: {  	[tilespmem:s30+$0xC400] =	vst v3;
	v8 =	vld.idx.msk [tilespmem:v0+s30+$0x190 ss:$0x1], $0xffff  }
0xdf: {  	[tilespmem:s30+$0xC380] =	vst v1;
	v1 =	vld.idx.msk [tilespmem:v0+s30+$0x210 ss:$0x1], $0xffff  }
0xe0: {  	v4 =	vadd.f32 v4, v5;
	v5 =	vld.idx.msk [tilespmem:v0+s30+$0x310 ss:$0x1], $0xffff  }
0xe1: {  	v3 =	vld.idx.msk [tilespmem:v0+s30+$0x290 ss:$0x1], $0xffff  }
0xe2: {  	[tilespmem:s30+$0xC4A0] =	vst v4;
	v4 =	vld [tilespmem:s30+$0x4110];
	v7 =	vadd.f32 v7, v11  }
0xe3: {  	v11 =	vld [tilespmem:s30+$0x4410];
	v2 =	vadd.f32 v2, v56  }
0xe4: {  	v9 =	vld.idx.msk [tilespmem:v0+s30+$0x3B0 ss:$0x1], $0xffff;
	[tilespmem:s30+$0xC190] =	vst v7  }
0xe5: {  	v7 =	vadd.f32 v8, v57;
	v8 =	vld.idx.msk [tilespmem:v0+s30+$0xA0 ss:$0x1], $0xffff;
	[tilespmem:s30+$0xC210] =	vst v2  }
0xe6: {  	v1 =	vadd.f32 v1, v58;
	v2 =	vld.idx.msk [tilespmem:v0+s30+$0x120 ss:$0x1], $0xffff  }
0xe7: {  	v4 =	vadd.f32 v6, v4;
	v6 =	vld [tilespmem:s30+$0x4390]  }
0xe8: {  	[tilespmem:s30+$0xC310] =	vst v1;
	v1 =	vadd.f32 v5, v11;
	v11 =	vld [tilespmem:s30+$0x4220]  }
0xe9: {  	v5 =	vld.idx.msk [tilespmem:v0+s30+$0x220 ss:$0x1], $0xffff  }
0xea: {  	[tilespmem:s30+$0xC110] =	vst v4;
	v4 =	vld [tilespmem:s30+$0x4120]  }
0xeb: {  	v59 =	vld.idx.msk [tilespmem:v0+s30+$0x20 ss:$0x1], $0xffff  }
0xec: {  	[tilespmem:s30+$0xC410] =	vst v1;
	v1 =	vld [tilespmem:s30+$0x41A0]  }
0xed: {  	[tilespmem:s30+$0xC290] =	vst v7;
	v7 =	vld.idx.msk [tilespmem:v0+s30+$0x320 ss:$0x1], $0xffff;
	v3 =	vadd.f32 v3, v6  }
0xee: {  	v6 =	vld.idx.msk [tilespmem:v0+s30+$0x1A0 ss:$0x1], $0xffff;
	v2 =	vadd.f32 v2, v11  }
0xef: {  	v11 =	vld [tilespmem:s30+$0x41B0];
	v5 =	vadd.f32 v5, v61;
	[tilespmem:s30+$0xC390] =	vst v3  }
0xf0: {  	[tilespmem:s30+$0xC220] =	vst v2;
	v3 =	vld.idx.msk [tilespmem:v0+s30+$0x2A0 ss:$0x1], $0xffff;
	v4 =	vadd.f32 v59, v4  }
0xf1: {  	v1 =	vadd.f32 v8, v1;
	v2 =	vld.idx.msk [tilespmem:v0+s30+$0x130 ss:$0x1], $0xffff;
	[tilespmem:s30+$0xC320] =	vst v5  }
0xf2: {  	[tilespmem:s30+$0xC120] =	vst v4;
	v4 =	vld [tilespmem:s30+$0x4420]  }
0xf3: {  	[tilespmem:s30+$0xC1A0] =	vst v1;
	v5 =	vld.idx.msk [tilespmem:v0+s30+$0x230 ss:$0x1], $0xffff;
	v6 =	vadd.f32 v6, v60  }
0xf4: {  	v1 =	vld.idx.msk [tilespmem:v0+s30+$0xB0 ss:$0x1], $0xffff  }
0xf5: {  	v8 =	vld.idx.msk [tilespmem:v0+s30+$0x30 ss:$0x1], $0xffff;
	[tilespmem:s30+$0xC2A0] =	vst v6  }
0xf6: {  	v6 =	vadd.f32 v3, v62;
	v3 =	vld.idx.msk [tilespmem:v0+s30+$0x1B0 ss:$0x1], $0xffff  }
0xf7: {  	v4 =	vadd.f32 v7, v4;
	v7 =	vadd.f32 v9, v10;
	v10 =	vld [tilespmem:s30+$0x4230]  }
0xf8: {  	[tilespmem:s30+$0xC3A0] =	vst v6;
	v9 =	vld [tilespmem:s30+$0x42B0]  }
0xf9: {  	v6 =	vld.idx.msk [tilespmem:v0+s30+$0x2B0 ss:$0x1], $0xffff  }
0xfa: {  	v63 =	vadd.f32 v8, v15;
	v8 =	vld [tilespmem:s30+$0x4330];
	[tilespmem:s30+$0xC420] =	vst v4  }
0xfb: {  	[tilespmem:s30+$0xC4B0] =	vst v7;
	v7 =	vld [tilespmem:s30+$0x43B0]  }
0xfc: {  	s1 =	simm.s32 $0x1000;
	s0 =	simm.s32 $0x0;
	v4 =	vld.idx.msk [tilespmem:v0+s30+$0x330 ss:$0x1], $0xffff;
	[tilespmem:s30+$0xC130] =	vst v63  }
.LBB2_5:
0xfd: {  	s11 =	sshra.s32 s1, $0x2;
	s0 =	sadd.s32 $0x8, s0;
	v1 =	vadd.f32 v1, v11;
	v11 =	vld [tilespmem:s30+$0x4430]  }
0xfe: {  	v12 =	vld.idx.msk [tilespmem:v0+s11+$0x380 ss:$0x1], $0xffff;
	p0 =	slt.u32 s0, $0x78;
	v2 =	vadd.f32 v2, v10  }
0xff: {  	v10 =	vld [tilespmem:s11+$0x4480];
	[tilespmem:s30+$0xC1B0] =	vst v1;
	v1 =	vadd.f32 v3, v9  }
0x100: {  	v3 =	vld.idx.msk [tilespmem:v0+s11+$0x0 ss:$0x1], $0xffff;
	[tilespmem:s30+$0xC230] =	vst v2;
	v2 =	vadd.f32 v5, v8  }
0x101: {  	v5 =	vld.idx.msk [tilespmem:v0+s11+$0x80 ss:$0x1], $0xffff;
	[tilespmem:s30+$0xC2B0] =	vst v1;
	v1 =	vadd.f32 v6, v7  }
0x102: {  	v6 =	vld.idx.msk [tilespmem:v0+s11+$0x100 ss:$0x1], $0xffff;
	[tilespmem:s30+$0xC330] =	vst v2;
	v2 =	vadd.f32 v4, v11  }
0x103: {  	v4 =	vld.idx.msk [tilespmem:v0+s11+$0x180 ss:$0x1], $0xffff;
	[tilespmem:s30+$0xC3B0] =	vst v1  }
0x104: {  	v1 =	vld.idx.msk [tilespmem:v0+s11+$0x200 ss:$0x1], $0xffff;
	v7 =	vadd.f32 v12, v10;
	[tilespmem:s30+$0xC430] =	vst v2;
	s30 =	smov.u32 s11  }
0x105: {  	v2 =	vld.idx.msk [tilespmem:v0+s30+$0x280 ss:$0x1], $0xffff  }
0x106: {  	v8 =	vld.idx.msk [tilespmem:v0+s30+$0x300 ss:$0x1], $0xffff;
	[tilespmem:s30+$0xC480] =	vst v7  }
0x107: {  	v7 =	vld.idx.msk [tilespmem:v0+s30+$0x390 ss:$0x1], $0xffff  }
0x108: {  	v9 =	vld [tilespmem:s30+$0x4490]  }
0x109: {  	v10 =	vld [tilespmem:s30+$0x4100]  }
0x10a: {  	v11 =	vld [tilespmem:s30+$0x4180]  }
0x10b: {  	v12 =	vld [tilespmem:s30+$0x4200]  }
0x10c: {  	v13 =	vld [tilespmem:s30+$0x4280]  }
0x10d: {  	v14 =	vld [tilespmem:s30+$0x4300];
	v7 =	vadd.f32 v7, v9  }
0x10e: {  	v3 =	vadd.f32 v3, v10;
	v9 =	vld [tilespmem:s30+$0x4380]  }
0x10f: {  	v5 =	vadd.f32 v5, v11;
	v10 =	vld [tilespmem:s30+$0x4400];
	[tilespmem:s30+$0xC490] =	vst v7  }
0x110: {  	[tilespmem:s30+$0xC100] =	vst v3;
	v3 =	vadd.f32 v6, v12;
	v6 =	vld.idx.msk [tilespmem:v0+s30+$0x3A0 ss:$0x1], $0xffff  }
0x111: {  	[tilespmem:s30+$0xC180] =	vst v5;
	v4 =	vadd.f32 v4, v13;
	v5 =	vld [tilespmem:s30+$0x44A0]  }
0x112: {  	v7 =	vld.idx.msk [tilespmem:v0+s30+$0x10 ss:$0x1], $0xffff;
	[tilespmem:s30+$0xC200] =	vst v3;
	v1 =	vadd.f32 v1, v14  }
0x113: {  	v3 =	vld.idx.msk [tilespmem:v0+s30+$0x90 ss:$0x1], $0xffff;
	[tilespmem:s30+$0xC280] =	vst v4;
	v2 =	vadd.f32 v2, v9  }
0x114: {  	v4 =	vld.idx.msk [tilespmem:v0+s30+$0x110 ss:$0x1], $0xffff;
	[tilespmem:s30+$0xC300] =	vst v1;
	v1 =	vadd.f32 v8, v10  }
0x115: {  	v8 =	vld.idx.msk [tilespmem:v0+s30+$0x190 ss:$0x1], $0xffff;
	[tilespmem:s30+$0xC380] =	vst v2  }
0x116: {  	v2 =	vld.idx.msk [tilespmem:v0+s30+$0x210 ss:$0x1], $0xffff;
	[tilespmem:s30+$0xC400] =	vst v1;
	v1 =	vadd.f32 v6, v5  }
0x117: {  	v5 =	vld.idx.msk [tilespmem:v0+s30+$0x290 ss:$0x1], $0xffff  }
0x118: {  	v6 =	vld.idx.msk [tilespmem:v0+s30+$0x310 ss:$0x1], $0xffff;
	[tilespmem:s30+$0xC4A0] =	vst v1  }
0x119: {  	v1 =	vld.idx.msk [tilespmem:v0+s30+$0x3B0 ss:$0x1], $0xffff  }
0x11a: {  	v9 =	vld [tilespmem:s30+$0x44B0]  }
0x11b: {  	v10 =	vld [tilespmem:s30+$0x4110]  }
0x11c: {  	v11 =	vld [tilespmem:s30+$0x4190]  }
0x11d: {  	v12 =	vld [tilespmem:s30+$0x4210]  }
0x11e: {  	v13 =	vld [tilespmem:s30+$0x4290]  }
0x11f: {  	v14 =	vld [tilespmem:s30+$0x4310];
	v1 =	vadd.f32 v1, v9  }
0x120: {  	v7 =	vadd.f32 v7, v10;
	v9 =	vld [tilespmem:s30+$0x4390]  }
0x121: {  	v3 =	vadd.f32 v3, v11;
	v10 =	vld [tilespmem:s30+$0x4410];
	[tilespmem:s30+$0xC4B0] =	vst v1  }
0x122: {  	[tilespmem:s30+$0xC110] =	vst v7;
	v1 =	vld [tilespmem:s30+$0x4120];
	v4 =	vadd.f32 v4, v12  }
0x123: {  	v7 =	vld.idx.msk [tilespmem:v0+s30+$0x20 ss:$0x1], $0xffff;
	[tilespmem:s30+$0xC190] =	vst v3;
	v3 =	vadd.f32 v8, v13  }
0x124: {  	v8 =	vld.idx.msk [tilespmem:v0+s30+$0xA0 ss:$0x1], $0xffff;
	[tilespmem:s30+$0xC210] =	vst v4;
	v2 =	vadd.f32 v2, v14  }
0x125: {  	v4 =	vld.idx.msk [tilespmem:v0+s30+$0x120 ss:$0x1], $0xffff;
	[tilespmem:s30+$0xC290] =	vst v3;
	v3 =	vadd.f32 v5, v9  }
0x126: {  	v5 =	vld.idx.msk [tilespmem:v0+s30+$0x1A0 ss:$0x1], $0xffff;
	[tilespmem:s30+$0xC310] =	vst v2;
	v2 =	vadd.f32 v6, v10  }
0x127: {  	v6 =	vld.idx.msk [tilespmem:v0+s30+$0x220 ss:$0x1], $0xffff;
	[tilespmem:s30+$0xC390] =	vst v3  }
0x128: {  	v3 =	vld.idx.msk [tilespmem:v0+s30+$0x2A0 ss:$0x1], $0xffff;
	[tilespmem:s30+$0xC410] =	vst v2  }
0x129: {  	v1 =	vadd.f32 v7, v1;
	v7 =	vld.idx.msk [tilespmem:v0+s30+$0x320 ss:$0x1], $0xffff  }
0x12a: {  	v2 =	vld [tilespmem:s30+$0x41A0]  }
0x12b: {  	[tilespmem:s30+$0xC120] =	vst v1;
	v1 =	vld [tilespmem:s30+$0x4220]  }
0x12c: {  	v9 =	vld [tilespmem:s30+$0x42A0]  }
0x12d: {  	v10 =	vld [tilespmem:s30+$0x4320]  }
0x12e: {  	v11 =	vld [tilespmem:s30+$0x43A0]  }
0x12f: {  	v2 =	vadd.f32 v8, v2;
	v8 =	vld [tilespmem:s30+$0x4420]  }
0x130: {  	v12 =	vld.idx.msk [tilespmem:v0+s30+$0x30 ss:$0x1], $0xffff;
	v4 =	vadd.f32 v4, v1  }
0x131: {  	v13 =	vld [tilespmem:s30+$0x4130];
	[tilespmem:s30+$0xC1A0] =	vst v2;
	v5 =	vadd.f32 v5, v9  }
0x132: {  	v1 =	vld.idx.msk [tilespmem:v0+s30+$0xB0 ss:$0x1], $0xffff;
	[tilespmem:s30+$0xC220] =	vst v4;
	v4 =	vadd.f32 v6, v10  }
0x133: {  	v2 =	vld.idx.msk [tilespmem:v0+s30+$0x130 ss:$0x1], $0xffff;
	[tilespmem:s30+$0xC2A0] =	vst v5;
	v6 =	vadd.f32 v3, v11  }
0x134: {  	v3 =	vld.idx.msk [tilespmem:v0+s30+$0x1B0 ss:$0x1], $0xffff;
	[tilespmem:s30+$0xC320] =	vst v4;
	v4 =	vadd.f32 v7, v8  }
0x135: {  	v5 =	vld.idx.msk [tilespmem:v0+s30+$0x230 ss:$0x1], $0xffff;
	[tilespmem:s30+$0xC3A0] =	vst v6  }
0x136: {  	v7 =	vadd.f32 v12, v13;
	v6 =	vld.idx.msk [tilespmem:v0+s30+$0x2B0 ss:$0x1], $0xffff;
	[tilespmem:s30+$0xC420] =	vst v4  }
0x137: {  	v4 =	vld.idx.msk [tilespmem:v0+s30+$0x330 ss:$0x1], $0xffff  }
.Ltmp1:
0x138: {  	[tilespmem:s30+$0xC130] =	vst v7;
	v11 =	vld [tilespmem:s30+$0x41B0];
	(pc) =	sbr.rel @p0 .LBB2_5-.Ltmp1, $4  }
0x139: {  	v10 =	vld [tilespmem:s30+$0x4230]  }
0x13a: {  	v9 =	vld [tilespmem:s30+$0x42B0]  }
0x13b: {  	v8 =	vld [tilespmem:s30+$0x4330]  }
0x13c: {  	s1 =	sadd.s32 $0x1000, s1;
	v7 =	vld [tilespmem:s30+$0x43B0]  }
0x13d: {  	v0 =	vadd.f32 v1, v11;
	v60 =	vld [tilespmem:s30+$0x4430]  }
0x13e: {  	v2 =	vadd.f32 v2, v10  }
0x13f: {  	s28 =	sadd.s32 $0x1, s28;
	[tilespmem:s30+$0xC1B0] =	vst v0;
	v61 =	vadd.f32 v3, v9  }
0x140: {  	p0 =	sne.s32 s28, $0x64;
	[tilespmem:s30+$0xC230] =	vst v2;
	v62 =	vadd.f32 v5, v8  }
.Ltmp2:
0x141: {  	[tilespmem:s30+$0xC2B0] =	vst v61;
	v63 =	vadd.f32 v6, v7;
	(pc) =	sbr.rel @p0 .LBB2_2-.Ltmp2, $4  }
0x142: {  	[tilespmem:s30+$0xC330] =	vst v62;
	v1 =	vadd.f32 v4, v60  }
0x143: {  	s0 =	sshll.u32 s29, $0x4;
	s23 =	sadd.s32 $0x8000, s23;
	s26 =	sadd.s32 $0x100, s26;
	[tilespmem:s30+$0xC3B0] =	vst v63  }
0x144: {  	s24 =	sadd.s32 $0x8000, s24;
	s25 =	sadd.s32 $0x100, s25;
	s0 =	sadd.s32 s7, s0;
	[tilespmem:s30+$0xC430] =	vst v1  }
0x145: {  	[hbm4b:s0+s3] =	stream.linear.scatter [tilespmem:s19], [sflag:$0x4], $0x4000, $0x38;
	[tilespmem:$0x1C900] =	vst v63  }
0x146: {  	s22 =	sadd.s32 $0x1, s22  }
0x147: {  	_ =	swait.ge [sflag:s20], $0x4000;
	p0 =	sne.s32 s22, s10  }
.Ltmp3:
0x148: {  	[sflag:s20] =	ssyncset.done $0x0;
	(pc) =	sbr.rel @p0 .LBB2_1-.Ltmp3, $4  }
0x149: {  	[sflag:s20] =	ssyncadd.s32 $0xFFFFC000  }
0x14a: {  	_ =	swait.ge [sflag:s21], $0x4000  }
0x14b: {  	[sflag:s21] =	ssyncset.done $0x0  }
0x14c: {  	[sflag:s21] =	ssyncadd.s32 $0xFFFFC000  }
0x14d: {  	_ =	sfence.sel $0x180000  }
0x14e: {  	[bflag:$0x0] =	sbarrier.arrive $0xFFFF  }
0x14f: {  	_ =	strace $0x90000047  }
0x150: {  	s0 =	stileid.u32;
	[bflag:$0x2] =	sbarrier.arrive $0xFFFF  }
0x151: {  	p0 =	sne.s32 s0, $0x0;
	s0 =	rddreg [dreg:$0x2]  }
0x152: {  	s0 =	sadd.s32 @!p0 $0x100000, s0  }
0x153: {  	[sflag:s0] =	ssyncadd.tile.s32 @!p0 $0x1;
	_ =	shalt  }
.Lfunc_end2:
_tile_overlayer_lowered:
.L_overlay_start_2:
0x154: {  	(tag) =	ssettag $0x2  }
0x155: {  	s0 =	rddreg [dreg:$0x0];
	s2 =	stileid.u32  }
0x156: {  	s1 =	rddreg [dreg:$0x1];
	p0 =	sne.s32 s2, $0x0  }
0x157: {  	s3 =	rddreg [dreg:$0x2];
	[bflag:$0x3] =	sbarrier.arrive $0xFFFF;
	s2 =	simm.s32 @!p0 $0x1C05  }
0x158: {  	[timem:s3], [sflag:s2] =	dma.local @!p0 [hbm:s0], s1  }
0x159: {  	s0 =	simm.s32 @!p0 $0x5  }
0x15a: {  	_ =	swait.ge @!p0 [sflag:s0], s1  }
0x15b: {  	s1 =	ssub.s32 @!p0 $0x0, s1;
	[sflag:s0] =	ssyncset.done @!p0 $0x0  }
0x15c: {  	[sflag:s0] =	ssyncadd.s32 @!p0 s1  }
0x15d: {  	[bflag:$0x3] =	sbarrier.arrive $0xFFFF  }
0x15e: {  	_ =	shalt  }

// kernel: sparse-core-data-format-call.cloned.1.call-start
scs
called_computation_lowered:
.L_overlay_start_0:
0x0: {  	s2 =	sld [smem:$0x3FD9]  }
0x1: {  	s3 =	sld [smem:$0x3FFE];
	_ =	sdelay $0x1  }
0x2: {  	s1 =	srdreg.scid  }
0x3: {  	s0 =	sand.u32 $0x1, s1  }
0x4: {  	s18 =	sshll.u32 s0, $0xA;
	s2 =	sadd.s32 s3, s2  }
0x5: {  	s2 =	sadd.s32 s2, s18  }
0x6: {  	[smem:$0x3FC6] =	sst s2  }
0x7: {  	_ = 	snop  }
0x8: {  	s2 =	sld [smem:$0x3FD0];
	(tm) =	ssettm $0x1  }
0x9: {  	s19 =	sld [smem:$0x3FFB];
	_ =	sdelay $0x3  }
0xa: {  	_ =	strace s19  }
0xb: {  	s3 =	sld [smem:$0x3FFC];
	_ =	sdelay $0x3  }
0xc: {  	_ =	strace s3  }
0xd: {  	s3 =	sld [smem:$0x3FFD];
	_ =	sdelay $0x3  }
0xe: {  	_ =	strace s3  }
0xf: {  	_ =	strace $0x8FFFFFFF  }
0x10: {  	s20 =	sld [smem:$0x3FDB];
	_ =	sdelay $0x1  }
0x11: {  	s4 =	simm.s32 $_scs_section_size  }
0x12: {  	s5 =	simm.s32 $_size__tile_overlayer_lowered;
	s6 =	simm.s32 $_tile_overlayer_lowered  }
0x13: {  	s23 =	simm.s32 $0x1BFF;
	s22 =	sshll.u32 s6, $0x1;
	s3 =	sadd.s32 s4, s20  }
0x14: {  	s7 =	simm.s32 $0x0;
	s21 =	sshll.u32 s5, $0x1;
	s5 =	sadd.s32 s22, s3  }
0x15: {  	[timem:s7], [sflag:s23] =	dma.local [hbm:s5], s21  }
0x16: {  	_ =	swait.ge [sflag:s23], s21  }
0x17: {  	s4 =	ssub.s32 $0x0, s21;
	[sflag:s23] =	ssyncset.done $0x0  }
0x18: {  	[sflag:s23] =	ssyncadd.s32 s4;
	_ =	sdelay $0x1  }
0x19: {  	s24 =	simm.s32 $0x1B8B  }
0x1a: {  	_ =	swait.ge [sflag:s24], $0x1  }
0x1b: {  	[sflag:s24] =	ssyncset.done $0x0  }
0x1c: {  	s26 =	simm.s32 $0x1B8E;
	s25 =	sld [smem:$0x3FFE];
	[sflag:s24] =	ssyncadd.s32 $0xFFFFFFFF  }
0x1d: {  	s27 =	simm.s32 $execute0_lowered;
	[smem:$0x3FD2] =	sst s26  }
0x1e: {  	s5 =	sshll.u32 s27, $0x1;
	_ =	strace $0x80000049;
	[dreg:$0x1] =	wrdreg $0xFFFFFFFF  }
0x1f: {  	s28 =	simm.s32 $_size_execute0_lowered;
	s3 =	sadd.s32 s3, s5;
	[dreg:$0x0] =	wrdreg $0x0  }
0x20: {  	s5 =	sshll.u32 s28, $0x1;
	[dreg:$0x2] =	wrdreg s3  }
0x21: {  	[dreg:$0x3] =	wrdreg s5  }
0x22: {  	[dreg:$0x4] =	wrdreg $0xC0  }
0x23: {  	_ =	task [dreg:s7], $0x5FFFF  }
0x24: {  	[dreg:$0x1] =	wrdreg $0xFFFFFFFF  }
0x25: {  	[dreg:$0x0] =	wrdreg $0x60  }
0x26: {  	[dreg:$0x2] =	wrdreg s25  }
0x27: {  	[dreg:$0x3] =	wrdreg s2  }
0x28: {  	[dreg:$0x4] =	wrdreg $0x9  }
0x29: {  	_ =	task.clear_ibuf [dreg:s7], $0x5FFFF;
	_ =	strace $0x90000049  }
0x2a: {  	s29 =	simm.s32 $0x9;
	_ =	strace $0x8000004B  }
0x2b: {  	_ =	swait.ge [sflag:s29], $0x1  }
0x2c: {  	[sflag:s29] =	ssyncadd.s32 $0xFFFFFFFF  }
0x2d: {  	_ =	strace $0x9000004B  }
0x2e: {  	_ =	sfence  }
0x2f: {  	s30 =	sld [smem:$0x0];
	_ =	sdelay $0x2  }
0x30: {  	s31 =	sshll.u32 s1, $0xD;
	s1 =	sshrl.u32 s1, $0x2  }
0x31: {  	s3 =	sand.u32 $0x4000, s31;
	s1 =	sadd.s32 s1, s30  }
0x32: {  	s0 =	sor.u32 s3, s0;
	s1 =	sshll.u32 s1, $0x11  }
0x33: {  	s0 =	sor.u32 s1, s0  }
0x34: {  	s0 =	sadd.s32 $0x8F2B, s0  }
0x35: {  	[sflag:s0] =	ssyncadd.remote.s32 $0x1  }
0x36: {  	_ =	sfence.sel $0xFFFF  }
0x37: {  	[dreg:$0x0] =	wrdreg $0xFFFFFFFF;
	(pc) =	sbr.abs _section_cstart, $3  }
0x38: {  	[dreg:$0x1] =	wrdreg $0xFFFFFFFF  }
0x39: {  	_ =	task.clear_ibuf [dreg:s7], $0x2FFFF;
	_ =	strace $0x9FFFFFFF  }
0x3a: {  	(tm) =	ssettm $0x7FFFFFFF  }
0x3b: {  	_ =	shalt  }
tec
execute0_lowered:
.L_overlay_start_1:
0x0: {  	(tag) =	ssettag $0x1  }
0x1: {  	s0 =	srdreg.scid  }
0x2: {  	s1 =	sshll.u32 s0, $0x4  }
0x3: {  	s0 =	stileid.u32;
	s1 =	sand.u32 $0x10, s1  }
0x4: {  	s1 =	sor.u32 s0, s1  }
0x5: {  	s6 =	rddreg [dreg:$0x0];
	s4 =	simm.s32 $0x1;
	s2 =	sshll.u32 s1, $0x7  }
0x6: {  	s7 =	simm.s32 $0x2;
	s12 =	simm.s32 $0x0;
	s1 =	ssub.s32 $0x1000, s2  }
0x7: {  	s8 =	simm.s32 $0x8000;
	s13 =	simm.s32 $0x0;
	s3 =	sand.u32 $0xF80, s1  }
0x8: {  	s9 =	simm.s32 $0x0;
	s5 =	sshrl.u32 s1, $0xC;
	p0 =	sne.s32 s3, $0x0  }
.Ltmp0:
0x9: {  	s1 =	rddreg [dreg:$0x2];
	s4 =	simm.s32 @!p0 $0x0;
	(pc) =	sbr.rel .LBB1_1-.Ltmp0, $4  }
0xa: {  	s11 =	simm.s32 $0x0;
	s3 =	rddreg [dreg:$0x1];
	s5 =	sadd.s32 s4, s5  }
0xb: {  	_ =	strace $0x8000004A;
	s4 =	simm.s32 $0x1;
	s5 =	smul.u32 $0xC8, s5  }
0xc: {  	s6 =	sadd.s32 $0x2600, s6;
	s10 =	smov.u32 s2;
	[sflag:s4] =	ssyncpa.u1 $0x0  }
0xd: {  	p0 =	por $0x0, $0x0;
	[sflag:s7] =	ssyncpa.u1 $0x0;
	s7 =	sor.u32 $0x1, s5  }
.LBB1_4:
0xe: {  	s16 =	sshll.u32 s13, $0x3;
	s17 =	sand.u32 $0x78, s13  }
0xf: {  	s30 =	sand.u32 $0x7E00, s13;
	s12 =	sshll.u32 s12, $0xF;
	s16 =	sand.u32 $0xC00, s16  }
0x10: {  	[tilespmem:s15+$0x810 ss:$0x81] =	vst.msk $0xffff, v2;
	s31 =	sand.u32 $0x7, s13;
	s16 =	sor.u32 s17, s16;
	s17 =	sadd.s32 s3, s30  }
0x11: {  	[tilespmem:s15+$0x1020 ss:$0x81] =	vst.msk $0xffff, v0;
	s13 =	sshll.u32 s31, $0x12;
	s12 =	sadd.s32 s12, s17;
	s16 =	sshrl.u32 s16, $0x3  }
0x12: {  	[tilespmem:s15+$0x0 ss:$0x81] =	vst.msk $0xffff, v1;
	s13 =	sor.u32 $0x400, s13;
	s12 =	sadd.s32 s16, s12  }
0x13: {  	[hbm4b:s12+s13] =	stream.strided.scatter [tilespmem:s14], [sflag:$0x2], $0x2000, s8, s13, $0x20;
	[tilespmem:$0x8080] =	vst v63  }
.LBB1_5:
0x14: {  	s14 =	sadd.s32 $0x1, s9  }
0x15: {  	s12 =	sadd.s32 $0x1000, s10;
	s16 =	smov.u32 s10;
	p2 =	sgt.s32 s14, $0xC7  }
0x16: {  	s16 =	smov.u32 @p2 s12  }
0x17: {  	s14 =	simm.s32 @p2 $0x0;
	p2 =	sgt.s32 s16, $0xFFF  }
0x18: {  	s16 =	smov.u32 @p2 s2;
	p2 =	sne.s32 s11, s7  }
.Ltmp1:
0x19: {  	p1 =	slt.u32 s11, $0x2;
	(pc) =	sbr.rel @!p2 .LBB1_6-.Ltmp1, $4  }
0x1a: {  	s15 =	simm.s32 @!p1 $0x2  }
0x1b: {  	s13 =	smov.u32 s10;
	p0 =	por !p0, !p0;
	_ =	swait.ge @!p1 [sflag:s15], $0x2000  }
0x1c: {  	s12 =	smov.u32 s9;
	[sflag:s15] =	ssyncset.done @!p1 $0x0;
	s9 =	smov.u32 s14  }
0x1d: {  	s11 =	sadd.s32 $0x1, s11;
	[sflag:s15] =	ssyncadd.s32 @!p1 $0xFFFFE000;
	s10 =	smov.u32 s16  }
.LBB1_1:
0x1e: {  	p1 =	sge.u32 s11, s5  }
0x1f: {  	s14 =	sand.u32 @!p1 $0x1FFFFFF, s9  }
0x20: {  	s15 =	smulhi.u32 @!p1 $0x147AE15, s14;
	_ =	sdelay $0x1  }
0x21: {  	s15 =	smul.u32 @!p1 $0xC8, s15  }
0x22: {  	s16 =	sxor.u32 @!p1 $0xFFFFFFFF, s11;
	s17 =	smul.u32 @!p1 $0xC80, s10  }
0x23: {  	s31 =	sadd.s32 $0xFFFFFFFF, s11;
	s16 =	sshll.u32 @!p1 s16, $0xD;
	s14 =	ssub.s32 @!p1 s14, s15  }
0x24: {  	s15 =	sand.u32 @!p1 $0x2000, s16;
	s16 =	sadd.s32 @!p1 s6, s17;
	s14 =	sshll.u32 @!p1 s14, $0x4  }
0x25: {  	s17 =	simm.s32 @!p1 $0x6400;
	s14 =	sadd.s32 @!p1 s14, s16;
	s16 =	simm.s32 @!p1 $0x40  }
0x26: {  	[tilespmem:s15], [sflag:$0x1] =	stream.strided.gather @!p1 [hbm4b:s14+s16], $0x2000, s17, s16, $0x38;
	[tilespmem:$0x8080] =	vst v63  }
0x27: {  	p1 =	sge.u32 s31, s5  }
.Ltmp2:
0x28: {  	_ = 	snop;
	(pc) =	sbr.rel @p1 .LBB1_5-.Ltmp2, $1  }
0x29: {  	_ =	sdelay $0x3  }
0x2a: {  	s14 =	simm.s32 $0x1  }
0x2b: {  	_ =	swait.ge [sflag:s4], $0x2000;
	s14 =	simm.s32 @!p0 $0x0  }
0x2c: {  	[sflag:s4] =	ssyncset.done $0x0;
	s15 =	sshll.u32 s14, $0xD  }
0x2d: {  	[sflag:s4] =	ssyncadd.s32 $0xFFFFE000;
	s18 =	sor.u32 $0x20, s15  }
0x2e: {  	s14 =	smul.u32 $0x8100, s14;
	v3 =	vld [tilespmem:s18+$0x10]  }
0x2f: {  	s30 =	sand.u32 $0x1, s11;
	v2 =	vld [tilespmem:s18+$0xFFFFFFF0]  }
0x30: {  	s15 =	smul.u32 $0x8100, s30;
	s14 =	sshrl.u32 s14, $0x2;
	v0 =	vld [tilespmem:s18+$0x0]  }
0x31: {  	v1 =	vld [tilespmem:s18+$0xFFFFFFE0];
	s16 =	sor.u32 $0x4000, s14  }
0x32: {  	s31 =	sshrl.u32 s15, $0x2;
	s15 =	sadd.s32 $0x0, s16  }
0x33: {  	s17 =	simm.s32 $0x4;
	s18 =	sadd.s32 $0x40, s18;
	s14 =	sor.u32 $0x4000, s31;
	[tilespmem:s15+$0x1830 ss:$0x81] =	vst.msk $0xffff, v3  }
.LBB1_3:
0x34: {  	v3 =	vld [tilespmem:s18+$0x10];
	p1 =	sne.s32 s17, $0x1FC;
	[tilespmem:s15+$0x810 ss:$0x81] =	vst.msk $0xffff, v2;
	s19 =	smov.u32 s17;
	s17 =	sadd.s32 $0x4, s17  }
.Ltmp3:
0x35: {  	v2 =	vld [tilespmem:s18+$0xFFFFFFF0];
	[tilespmem:s15+$0x1020 ss:$0x81] =	vst.msk $0xffff, v0;
	(pc) =	sbr.rel @p1 .LBB1_3-.Ltmp3, $4  }
0x36: {  	v0 =	vld [tilespmem:s18+$0x0];
	[tilespmem:s15+$0x0 ss:$0x81] =	vst.msk $0xffff, v1  }
0x37: {  	s15 =	sshra.s32 s19, $0x2;
	v1 =	vld [tilespmem:s18+$0xFFFFFFE0]  }
0x38: {  	s15 =	sadd.s32 s15, s16  }
0x39: {  	s18 =	sadd.s32 $0x40, s18;
	[tilespmem:s15+$0x1830 ss:$0x81] =	vst.msk $0xffff, v3  }
.Ltmp4:
0x3a: {  	_ = 	snop;
	(pc) =	sbr.rel .LBB1_4-.Ltmp4, $1  }
0x3b: {  	_ =	sdelay $0x3  }
.LBB1_6:
0x3c: {  	_ =	sfence.sel $0x180000  }
0x3d: {  	s2 =	simm.s32 $0x1;
	[bflag:$0x0] =	sbarrier.arrive $0xFFFF  }
0x3e: {  	s31 =	simm.s32 $0x2;
	[sflag:s2] =	ssyncpa.u1 $0x1  }
0x3f: {  	[sflag:s31] =	ssyncpa.u1 $0x1  }
0x40: {  	p0 =	sne.s32 s0, $0x0;
	_ =	strace $0x9000004A  }
0x41: {  	s0 =	sadd.s32 @!p0 $0x100000, s1;
	[bflag:$0x2] =	sbarrier.arrive $0xFFFF  }
0x42: {  	[sflag:s0] =	ssyncadd.tile.s32 @!p0 $0x1;
	_ =	shalt  }
.Lfunc_end1:
_tile_overlayer_lowered:
.L_overlay_start_2:
0x43: {  	(tag) =	ssettag $0x2  }
0x44: {  	s0 =	rddreg [dreg:$0x0];
	s2 =	stileid.u32  }
0x45: {  	s1 =	rddreg [dreg:$0x1];
	p0 =	sne.s32 s2, $0x0  }
0x46: {  	s3 =	rddreg [dreg:$0x2];
	[bflag:$0x3] =	sbarrier.arrive $0xFFFF;
	s2 =	simm.s32 @!p0 $0x1C01  }
0x47: {  	[timem:s3], [sflag:s2] =	dma.local @!p0 [hbm:s0], s1  }
0x48: {  	s0 =	simm.s32 @!p0 $0x1  }
0x49: {  	_ =	swait.ge @!p0 [sflag:s0], s1  }
0x4a: {  	s1 =	ssub.s32 @!p0 $0x0, s1;
	[sflag:s0] =	ssyncset.done @!p0 $0x0  }
0x4b: {  	[sflag:s0] =	ssyncadd.s32 @!p0 s1  }
0x4c: {  	[bflag:$0x3] =	sbarrier.arrive $0xFFFF  }
0x4d: {  	_ =	shalt  }

</sc_bundles>
